<compile_context>
chip_gen: v7x
topology: tpu7x:2x2x1
jax: 0.10.2.dev20260603
libtpu: 0.0.44.dev20260713+nightly
codegen_flags: <defaults>
</compile_context>

<pallas_src>
import functools

import jax
import jax.numpy as jnp
from jax import lax
from jax.experimental import pallas as pl
from jax.experimental.pallas import tpu as pltpu
from jax.experimental.pallas import tpu_sc as plsc




def _proj_body(f_ref, w_ref, b_ref, y_ref):
    k = pl.program_id(0)
    y = jnp.dot(f_ref[...], w_ref[0], preferred_element_type=jnp.float32)
    bias_once = jnp.where(k == 0, 1.0, 0.0).astype(jnp.float32)
    y_ref[0] = y + bias_once * b_ref[...]


def _project(flat, w, bias, tn=1024):
    bn, c = flat.shape
    k, _, o = w.shape
    nt = bn // tn
    return pl.pallas_call(
        _proj_body,
        grid=(k, nt),
        in_specs=[
            pl.BlockSpec((tn, c), lambda kk, i: (i, 0)),
            pl.BlockSpec((1, c, o), lambda kk, i: (kk, 0, 0)),
            pl.BlockSpec((o,), lambda kk, i: (0,)),
        ],
        out_specs=pl.BlockSpec((1, tn, o), lambda kk, i: (kk, i, 0)),
        out_shape=jax.ShapeDtypeStruct((k, bn, o), jnp.float32),
    )(flat, w, bias)




def _sc_gather_sum(y2, idx_w, n, o, k, bn, op):
    nw = 32
    rpw = bn // nw
    ch = 448
    nch = rpw // ch
    g = 112
    ng = ch // g
    wpb = n // rpw
    nc = o // 16

    mesh = plsc.VectorSubcoreMesh(core_axis_name="c", subcore_axis_name="s")

    @functools.partial(
        pl.kernel,
        mesh=mesh,
        out_type=jax.ShapeDtypeStruct((bn, op), jnp.float32),
        scratch_types=[
            pltpu.VMEM((ch, op), jnp.float32),
            pltpu.VMEM((g, op), jnp.float32),
            pltpu.VMEM((k * rpw,), jnp.int32),
            pltpu.VMEM((ch,), jnp.int32),
            pltpu.SemaphoreType.DMA,
        ],
    )
    def body(y_hbm, idx_hbm, out_hbm, acc, stage, idxs, ids, sem):
        wid = lax.axis_index("s") * 2 + lax.axis_index("c")
        b = wid // wpb
        w_i = wid % wpb
        pltpu.sync_copy(idx_hbm.at[pl.ds(w_i * k * rpw, k * rpw)], idxs)

        def chunk_body(c_i, carry):
            row0 = wid * rpw + c_i * ch

            def zero_body(r, _):
                for cc in range(nc):
                    acc[r, pl.ds(cc * 16, 16)] = jnp.zeros((16,), jnp.float32)
                return 0

            lax.fori_loop(0, ch, zero_body, 0)

            def k_body(k_i, _):
                off = (k_i * 2 + b) * n
                base = k_i * rpw + c_i * ch
                for jj in range(ch // 16):
                    ids[pl.ds(jj * 16, 16)] = (
                        idxs[pl.ds(base + jj * 16, 16)] + off)
                for gg in range(ng):
                    cp = pltpu.async_copy(
                        y_hbm.at[ids.at[pl.ds(gg * g, g)]], stage, sem)
                    cp.wait()

                    def add_body(r, _):
                        for cc in range(nc):
                            sl = pl.ds(cc * 16, 16)
                            acc[gg * g + r, sl] = (
                                acc[gg * g + r, sl] + stage[r, sl])
                        return 0

                    lax.fori_loop(0, g, add_body, 0)
                return 0

            lax.fori_loop(0, k, k_body, 0)
            pltpu.sync_copy(acc, out_hbm.at[pl.ds(row0, ch)])
            return 0

        lax.fori_loop(0, nch, chunk_body, 0)

    return body(y2, idx_w)




def kernel(inputs, neighbor_indices, kernel, bias):
    b, h, w, c = inputs.shape
    n = h * w
    k, _, o = kernel.shape
    bn = b * n
    op = 128
    flat = inputs.reshape(bn, c)
    w_p = jnp.pad(kernel, ((0, 0), (0, 0), (0, op - o)))
    b_p = jnp.pad(bias, (0, op - o))
    y = _project(flat, w_p, b_p)
    y2 = y.reshape(k * bn, op)
    rpw = bn // 32
    wpb = n // rpw
    idx_w = neighbor_indices.T.reshape(k, wpb, rpw).transpose(1, 0, 2).reshape(-1)
    out = _sc_gather_sum(y2, idx_w, n, o, k, bn, op)
    return out[:, :o].reshape(b, h, w, o)

# --- scband reference (transcript-rebuilt; emitter-appended) ---
"""Pipeline reference for scband-indexed-conv2-d-38139309588835 (READ-ONLY COPY).

The authoritative reference and input builder live on the scoring server;
editing this copy changes nothing except your own understanding.
"""

import jax, jax.numpy as jnp
import numpy as np

B, H, W, C = 2, 224, 224, 96
K = 9
O = 96
N = H * W


def setup_inputs(seed: int = 0) -> dict:
    key = jax.random.key(seed)
    k1, k2, k3 = jax.random.split(key, 3)
    inputs = jax.random.normal(k1, (B, H, W, C), dtype=jnp.float32)
    # neighbor_indices: (N, K) int32 in [0, N); all >= 0 so every pixel is valid.
    neighbor_indices = jax.random.randint(k2, (N, K), 0, N, dtype=jnp.int32)
    # glorot_uniform for kernel (K, C, O)
    limit = float(np.sqrt(6.0 / (K * C + O)))
    kernel = jax.random.uniform(k3, (K, C, O), dtype=jnp.float32, minval=-limit, maxval=limit)
    bias = jnp.zeros((O,), dtype=jnp.float32)
    return {"inputs": inputs, "neighbor_indices": neighbor_indices, "kernel": kernel, "bias": bias}


def reference(inputs, neighbor_indices, kernel, bias):
    b, h, w, c = inputs.shape
    n = h * w
    o = kernel.shape[-1]
    flat = inputs.reshape(b, n, c)
    # mask of pixels whose full neighborhood exists (all indices >= 0)
    valid_mask = jnp.all(neighbor_indices >= 0, axis=1)
    safe_indices = jnp.where(neighbor_indices >= 0, neighbor_indices, 0)  # (N, K)
    # gather neighbor features: (B, N, K, C)
    neigh = jnp.take(flat, safe_indices, axis=1)
    # indexed convolution: contract neighbor and channel dims against per-neighbor kernel
    out = jnp.einsum('bnki,kio->bno', neigh, kernel)
    out = out + bias
    # zero out pixels whose neighborhood is incomplete (invalid pixels stay zero)
    out_full = jnp.where(valid_mask[None, :, None], out, jnp.zeros((), dtype=out.dtype))
    return out_full.reshape(b, h, w, o)

if __name__ == "__main__":
    import jax
    _d = setup_inputs()
    print(jax.jit(kernel)(*tuple(_d.values())))

</pallas_src>

<mosaic_0001>
#map = affine_map<(d0, d1) -> (0, 0)>
#map1 = affine_map<(d0, d1) -> (0)>
module attributes {stable_mosaic.version = 14 : i64} {
  func.func @body(%arg0: i32, %arg1: i32, %arg2: memref<903168x128xf32, #tpu.memory_space<hbm>>, %arg3: memref<451584xi32, #tpu.memory_space<hbm>>, %arg4: memref<100352x128xf32, #tpu.memory_space<hbm>>, %arg5: memref<448x128xf32, #tpu.memory_space<vmem>>, %arg6: memref<112x128xf32, #tpu.memory_space<vmem>>, %arg7: memref<28224xi32, #tpu.memory_space<vmem>>, %arg8: memref<448xi32, #tpu.memory_space<vmem>>, %arg9: memref<!tpu.dma_semaphore, #tpu.memory_space<semaphore_mem>>) attributes {dimension_semantics = [#tpu.dimension_semantics<core_parallel>, #tpu.dimension_semantics<subcore_parallel>], iteration_bounds = array<i64: 2, 16>, scalar_prefetch = 0 : i64, scratch_operands = 5 : i64, tpu.core_type = #tpu.core_type<sc_vector_subcore>, window_params = [{transform_indices = #map}, {transform_indices = #map1}, {transform_indices = #map}]} {
    %mul3A = arith.constant 2 : i32
    %mul3A_0 = arith.muli %arg1, %mul3A : i32
    %add3A = arith.addi %mul3A_0, %arg0 : i32
    %jit3A = arith.constant 16 : i32
    %div3A = arith.divsi %add3A, %jit3A : i32
    %sign3A = arith.constant 0 : i32
    %sign3A_1 = arith.cmpi sgt, %add3A, %sign3A : i32
    %sign3A_2 = arith.extui %sign3A_1 : i1 to i32
    %sign3A_3 = arith.constant 0 : i32
    %sign3A_4 = arith.cmpi slt, %add3A, %sign3A_3 : i32
    %sign3A_5 = arith.extui %sign3A_4 : i1 to i32
    %sign3A_6 = arith.subi %sign3A_2, %sign3A_5 : i32
    %sign3A_7 = arith.constant 0 : i32
    %sign3A_8 = arith.cmpi sgt, %jit3A, %sign3A_7 : i32
    %sign3A_9 = arith.extui %sign3A_8 : i1 to i32
    %sign3A_10 = arith.constant 0 : i32
    %sign3A_11 = arith.cmpi slt, %jit3A, %sign3A_10 : i32
    %sign3A_12 = arith.extui %sign3A_11 : i1 to i32
    %sign3A_13 = arith.subi %sign3A_9, %sign3A_12 : i32
    %ne3A = arith.cmpi ne, %sign3A_6, %sign3A_13 : i32
    %rem3A = arith.remsi %add3A, %jit3A : i32
    %ne3A_14 = arith.constant 0 : i32
    %ne3A_15 = arith.cmpi ne, %rem3A, %ne3A_14 : i32
    %and3A = arith.andi %ne3A, %ne3A_15 : i1
    %sub3A = arith.constant 1 : i32
    %sub3A_16 = arith.subi %div3A, %sub3A : i32
    %select_n3A = arith.select %and3A, %sub3A_16, %div3A : i32
    %jit3A_17 = arith.constant 16 : i32
    %eq3A = arith.constant 0 : i32
    %eq3A_18 = arith.cmpi eq, %jit3A_17, %eq3A : i32
    %jit3A_19 = arith.constant 1 : i32
    %select_n3A_20 = arith.select %eq3A_18, %jit3A_19, %jit3A_17 : i32
    %rem3A_21 = arith.remsi %add3A, %select_n3A_20 : i32
    %ne3A_22 = arith.constant 0 : i32
    %ne3A_23 = arith.cmpi ne, %rem3A_21, %ne3A_22 : i32
    %lt3A = arith.constant 0 : i32
    %lt3A_24 = arith.cmpi slt, %rem3A_21, %lt3A : i32
    %lt3A_25 = arith.constant 0 : i32
    %lt3A_26 = arith.cmpi slt, %select_n3A_20, %lt3A_25 : i32
    %ne3A_27 = arith.xori %lt3A_24, %lt3A_26 : i1
    %and3A_28 = arith.andi %ne3A_27, %ne3A_23 : i1
    %add3A_29 = arith.addi %rem3A_21, %select_n3A_20 : i32
    %select_n3A_30 = arith.select %and3A_28, %add3A_29, %rem3A_21 : i32
    %mul3A_31 = arith.constant 9 : i32
    %mul3A_32 = arith.muli %select_n3A_30, %mul3A_31 : i32
    %mul3A_33 = arith.constant 3136 : i32
    %mul3A_34 = arith.muli %mul3A_32, %mul3A_33 : i32
    "tpu.region"() ({
      %run_scoped3A = tpu.sem_alloc : memref<!tpu.dma_semaphore, #tpu.memory_space<semaphore_mem>>
      %dma_start3A = tpu.memref_slice %arg3[%mul3A_34] : memref<451584xi32, #tpu.memory_space<hbm>> -> memref<28224xi32, #tpu.memory_space<hbm>>
      %dma_start3A_41 = tpu.memref_slice %arg3[%mul3A_34] : memref<451584xi32, #tpu.memory_space<hbm>> -> memref<28224xi32, #tpu.memory_space<hbm>>
      tpu.enqueue_dma source(%dma_start3A_41 : memref<28224xi32, #tpu.memory_space<hbm>>) target(%arg7 : memref<28224xi32, #tpu.memory_space<vmem>>) target_semaphore(%run_scoped3A : memref<!tpu.dma_semaphore, #tpu.memory_space<semaphore_mem>>)
      %dma_wait3A = tpu.memref_slice %arg3[%mul3A_34] : memref<451584xi32, #tpu.memory_space<hbm>> -> memref<28224xi32, #tpu.memory_space<hbm>>
      %dma_wait3A_42 = tpu.memref_slice %arg3[%mul3A_34] : memref<451584xi32, #tpu.memory_space<hbm>> -> memref<28224xi32, #tpu.memory_space<hbm>>
      tpu.wait_dma2 semaphore(%run_scoped3A : memref<!tpu.dma_semaphore, #tpu.memory_space<semaphore_mem>>) src(%dma_wait3A_42 : memref<28224xi32, #tpu.memory_space<hbm>>) dst(%arg7 : memref<28224xi32, #tpu.memory_space<vmem>>)
      tpu.yield
    }) : () -> ()
    %scan3A = arith.constant 0 : i32
    %scan3A_35 = arith.constant 0 : i32
    %scan3A_36 = arith.constant 7 : i32
    %scan3A_37 = arith.addi %scan3A_35, %scan3A_36 : i32
    %scan3A_38 = arith.constant 1 : i32
    %scan3A_39 = scf.for %scan3A_41 = %scan3A_35 to %scan3A_37 step %scan3A_38 iter_args(%scan3A_42 = %scan3A) -> (i32)  : i32 {
      %mul3A_43 = arith.constant 3136 : i32
      %mul3A_44 = arith.muli %add3A, %mul3A_43 : i32
      %mul3A_45 = arith.constant 448 : i32
      %mul3A_46 = arith.muli %scan3A_41, %mul3A_45 : i32
      %add3A_47 = arith.addi %mul3A_44, %mul3A_46 : i32
      %scan3A_48 = arith.constant 0 : i32
      %scan3A_49 = arith.constant 0 : i32
      %scan3A_50 = arith.constant 448 : i32
      %scan3A_51 = arith.addi %scan3A_49, %scan3A_50 : i32
      %scan3A_52 = arith.constant 1 : i32
      %scan3A_53 = scf.for %scan3A_63 = %scan3A_49 to %scan3A_51 step %scan3A_52 iter_args(%scan3A_64 = %scan3A_48) -> (i32)  : i32 {
        %broadcast_in_dim3A = arith.constant 0.000000e+00 : f32
        %broadcast_in_dim3A_65 = vector.broadcast %broadcast_in_dim3A : f32 to vector<16xf32>
        %swap3A = arith.index_cast %scan3A_63 : i32 to index
        %swap3A_66 = arith.constant 0 : index
        %swap3A_67 = tpu.vector_load %arg5[%swap3A, %swap3A_66] {strides = array<i32>} : memref<448x128xf32, #tpu.memory_space<vmem>>, vector<1x16xf32>,
        %swap3A_68 = vector.shape_cast %swap3A_67 : vector<1x16xf32> to vector<16xf32>
        %swap3A_69 = vector.shape_cast %broadcast_in_dim3A_65 : vector<16xf32> to vector<1x16xf32>
        tpu.vector_store %arg5[%swap3A, %swap3A_66], %swap3A_69 {strides = array<i32>} : memref<448x128xf32, #tpu.memory_space<vmem>>, vector<1x16xf32>,
        %broadcast_in_dim3A_70 = arith.constant 0.000000e+00 : f32
        %broadcast_in_dim3A_71 = vector.broadcast %broadcast_in_dim3A_70 : f32 to vector<16xf32>
        %swap3A_72 = arith.index_cast %scan3A_63 : i32 to index
        %swap3A_73 = arith.constant 16 : index
        %swap3A_74 = tpu.vector_load %arg5[%swap3A_72, %swap3A_73] {strides = array<i32>} : memref<448x128xf32, #tpu.memory_space<vmem>>, vector<1x16xf32>,
        %swap3A_75 = vector.shape_cast %swap3A_74 : vector<1x16xf32> to vector<16xf32>
        %swap3A_76 = vector.shape_cast %broadcast_in_dim3A_71 : vector<16xf32> to vector<1x16xf32>
        tpu.vector_store %arg5[%swap3A_72, %swap3A_73], %swap3A_76 {strides = array<i32>} : memref<448x128xf32, #tpu.memory_space<vmem>>, vector<1x16xf32>,
        %broadcast_in_dim3A_77 = arith.constant 0.000000e+00 : f32
        %broadcast_in_dim3A_78 = vector.broadcast %broadcast_in_dim3A_77 : f32 to vector<16xf32>
        %swap3A_79 = arith.index_cast %scan3A_63 : i32 to index
        %swap3A_80 = arith.constant 32 : index
        %swap3A_81 = tpu.vector_load %arg5[%swap3A_79, %swap3A_80] {strides = array<i32>} : memref<448x128xf32, #tpu.memory_space<vmem>>, vector<1x16xf32>,
        %swap3A_82 = vector.shape_cast %swap3A_81 : vector<1x16xf32> to vector<16xf32>
        %swap3A_83 = vector.shape_cast %broadcast_in_dim3A_78 : vector<16xf32> to vector<1x16xf32>
        tpu.vector_store %arg5[%swap3A_79, %swap3A_80], %swap3A_83 {strides = array<i32>} : memref<448x128xf32, #tpu.memory_space<vmem>>, vector<1x16xf32>,
        %broadcast_in_dim3A_84 = arith.constant 0.000000e+00 : f32
        %broadcast_in_dim3A_85 = vector.broadcast %broadcast_in_dim3A_84 : f32 to vector<16xf32>
        %swap3A_86 = arith.index_cast %scan3A_63 : i32 to index
        %swap3A_87 = arith.constant 48 : index
        %swap3A_88 = tpu.vector_load %arg5[%swap3A_86, %swap3A_87] {strides = array<i32>} : memref<448x128xf32, #tpu.memory_space<vmem>>, vector<1x16xf32>,
        %swap3A_89 = vector.shape_cast %swap3A_88 : vector<1x16xf32> to vector<16xf32>
        %swap3A_90 = vector.shape_cast %broadcast_in_dim3A_85 : vector<16xf32> to vector<1x16xf32>
        tpu.vector_store %arg5[%swap3A_86, %swap3A_87], %swap3A_90 {strides = array<i32>} : memref<448x128xf32, #tpu.memory_space<vmem>>, vector<1x16xf32>,
        %broadcast_in_dim3A_91 = arith.constant 0.000000e+00 : f32
        %broadcast_in_dim3A_92 = vector.broadcast %broadcast_in_dim3A_91 : f32 to vector<16xf32>
        %swap3A_93 = arith.index_cast %scan3A_63 : i32 to index
        %swap3A_94 = arith.constant 64 : index
        %swap3A_95 = tpu.vector_load %arg5[%swap3A_93, %swap3A_94] {strides = array<i32>} : memref<448x128xf32, #tpu.memory_space<vmem>>, vector<1x16xf32>,
        %swap3A_96 = vector.shape_cast %swap3A_95 : vector<1x16xf32> to vector<16xf32>
        %swap3A_97 = vector.shape_cast %broadcast_in_dim3A_92 : vector<16xf32> to vector<1x16xf32>
        tpu.vector_store %arg5[%swap3A_93, %swap3A_94], %swap3A_97 {strides = array<i32>} : memref<448x128xf32, #tpu.memory_space<vmem>>, vector<1x16xf32>,
        %broadcast_in_dim3A_98 = arith.constant 0.000000e+00 : f32
        %broadcast_in_dim3A_99 = vector.broadcast %broadcast_in_dim3A_98 : f32 to vector<16xf32>
        %swap3A_100 = arith.index_cast %scan3A_63 : i32 to index
        %swap3A_101 = arith.constant 80 : index
        %swap3A_102 = tpu.vector_load %arg5[%swap3A_100, %swap3A_101] {strides = array<i32>} : memref<448x128xf32, #tpu.memory_space<vmem>>, vector<1x16xf32>,
        %swap3A_103 = vector.shape_cast %swap3A_102 : vector<1x16xf32> to vector<16xf32>
        %swap3A_104 = vector.shape_cast %broadcast_in_dim3A_99 : vector<16xf32> to vector<1x16xf32>
        tpu.vector_store %arg5[%swap3A_100, %swap3A_101], %swap3A_104 {strides = array<i32>} : memref<448x128xf32, #tpu.memory_space<vmem>>, vector<1x16xf32>,
        %scan3A_105 = arith.constant 0 : i32
        scf.yield %scan3A_105 : i32
      }
      %scan3A_54 = arith.constant 448 : i32
      %scan3A_55 = arith.constant 0 : i32
      %scan3A_56 = arith.constant 0 : i32
      %scan3A_57 = arith.constant 9 : i32
      %scan3A_58 = arith.addi %scan3A_56, %scan3A_57 : i32
      %scan3A_59 = arith.constant 1 : i32
      %scan3A_60 = scf.for %scan3A_63 = %scan3A_56 to %scan3A_58 step %scan3A_59 iter_args(%scan3A_64 = %scan3A_55) -> (i32)  : i32 {
        %mul3A_65 = arith.constant 2 : i32
        %mul3A_66 = arith.muli %scan3A_63, %mul3A_65 : i32
        %add3A_67 = arith.addi %mul3A_66, %select_n3A : i32
        %mul3A_68 = arith.constant 50176 : i32
        %mul3A_69 = arith.muli %add3A_67, %mul3A_68 : i32
        %mul3A_70 = arith.constant 3136 : i32
        %mul3A_71 = arith.muli %scan3A_63, %mul3A_70 : i32
        %mul3A_72 = arith.constant 448 : i32
        %mul3A_73 = arith.muli %scan3A_41, %mul3A_72 : i32
        %add3A_74 = arith.addi %mul3A_71, %mul3A_73 : i32
        %add3A_75 = arith.constant 0 : i32
        %add3A_76 = arith.addi %add3A_74, %add3A_75 : i32
        %get3A = arith.index_cast %add3A_76 : i32 to index
        %get3A_77 = tpu.vector_load %arg7[%get3A] {strides = array<i32>} : memref<28224xi32, #tpu.memory_space<vmem>>, vector<16xi32>,
        %get3A_78 = vector.shape_cast %get3A_77 : vector<16xi32> to vector<16xi32>
        %add3A_79 = vector.broadcast %mul3A_69 : i32 to vector<16xi32>
        %add3A_80 = arith.addi %get3A_78, %add3A_79 : vector<16xi32>
        %swap3A = arith.constant 0 : index
        %swap3A_81 = tpu.vector_load %arg8[%swap3A] {strides = array<i32>} : memref<448xi32, #tpu.memory_space<vmem>>, vector<16xi32>,
        %swap3A_82 = vector.shape_cast %swap3A_81 : vector<16xi32> to vector<16xi32>
        %swap3A_83 = vector.shape_cast %add3A_80 : vector<16xi32> to vector<16xi32>
        tpu.vector_store %arg8[%swap3A], %swap3A_83 {strides = array<i32>} : memref<448xi32, #tpu.memory_space<vmem>>, vector<16xi32>,
        %add3A_84 = arith.constant 16 : i32
        %add3A_85 = arith.addi %add3A_74, %add3A_84 : i32
        %get3A_86 = arith.index_cast %add3A_85 : i32 to index
        %get3A_87 = tpu.vector_load %arg7[%get3A_86] {strides = array<i32>} : memref<28224xi32, #tpu.memory_space<vmem>>, vector<16xi32>,
        %get3A_88 = vector.shape_cast %get3A_87 : vector<16xi32> to vector<16xi32>
        %add3A_89 = vector.broadcast %mul3A_69 : i32 to vector<16xi32>
        %add3A_90 = arith.addi %get3A_88, %add3A_89 : vector<16xi32>
        %swap3A_91 = arith.constant 16 : index
        %swap3A_92 = tpu.vector_load %arg8[%swap3A_91] {strides = array<i32>} : memref<448xi32, #tpu.memory_space<vmem>>, vector<16xi32>,
        %swap3A_93 = vector.shape_cast %swap3A_92 : vector<16xi32> to vector<16xi32>
        %swap3A_94 = vector.shape_cast %add3A_90 : vector<16xi32> to vector<16xi32>
        tpu.vector_store %arg8[%swap3A_91], %swap3A_94 {strides = array<i32>} : memref<448xi32, #tpu.memory_space<vmem>>, vector<16xi32>,
        %add3A_95 = arith.constant 32 : i32
        %add3A_96 = arith.addi %add3A_74, %add3A_95 : i32
        %get3A_97 = arith.index_cast %add3A_96 : i32 to index
        %get3A_98 = tpu.vector_load %arg7[%get3A_97] {strides = array<i32>} : memref<28224xi32, #tpu.memory_space<vmem>>, vector<16xi32>,
        %get3A_99 = vector.shape_cast %get3A_98 : vector<16xi32> to vector<16xi32>
        %add3A_100 = vector.broadcast %mul3A_69 : i32 to vector<16xi32>
        %add3A_101 = arith.addi %get3A_99, %add3A_100 : vector<16xi32>
        %swap3A_102 = arith.constant 32 : index
        %swap3A_103 = tpu.vector_load %arg8[%swap3A_102] {strides = array<i32>} : memref<448xi32, #tpu.memory_space<vmem>>, vector<16xi32>,
        %swap3A_104 = vector.shape_cast %swap3A_103 : vector<16xi32> to vector<16xi32>
        %swap3A_105 = vector.shape_cast %add3A_101 : vector<16xi32> to vector<16xi32>
        tpu.vector_store %arg8[%swap3A_102], %swap3A_105 {strides = array<i32>} : memref<448xi32, #tpu.memory_space<vmem>>, vector<16xi32>,
        %add3A_106 = arith.constant 48 : i32
        %add3A_107 = arith.addi %add3A_74, %add3A_106 : i32
        %get3A_108 = arith.index_cast %add3A_107 : i32 to index
        %get3A_109 = tpu.vector_load %arg7[%get3A_108] {strides = array<i32>} : memref<28224xi32, #tpu.memory_space<vmem>>, vector<16xi32>,
        %get3A_110 = vector.shape_cast %get3A_109 : vector<16xi32> to vector<16xi32>
        %add3A_111 = vector.broadcast %mul3A_69 : i32 to vector<16xi32>
        %add3A_112 = arith.addi %get3A_110, %add3A_111 : vector<16xi32>
        %swap3A_113 = arith.constant 48 : index
        %swap3A_114 = tpu.vector_load %arg8[%swap3A_113] {strides = array<i32>} : memref<448xi32, #tpu.memory_space<vmem>>, vector<16xi32>,
        %swap3A_115 = vector.shape_cast %swap3A_114 : vector<16xi32> to vector<16xi32>
        %swap3A_116 = vector.shape_cast %add3A_112 : vector<16xi32> to vector<16xi32>
        tpu.vector_store %arg8[%swap3A_113], %swap3A_116 {strides = array<i32>} : memref<448xi32, #tpu.memory_space<vmem>>, vector<16xi32>,
        %add3A_117 = arith.constant 64 : i32
        %add3A_118 = arith.addi %add3A_74, %add3A_117 : i32
        %get3A_119 = arith.index_cast %add3A_118 : i32 to index
        %get3A_120 = tpu.vector_load %arg7[%get3A_119] {strides = array<i32>} : memref<28224xi32, #tpu.memory_space<vmem>>, vector<16xi32>,
        %get3A_121 = vector.shape_cast %get3A_120 : vector<16xi32> to vector<16xi32>
        %add3A_122 = vector.broadcast %mul3A_69 : i32 to vector<16xi32>
        %add3A_123 = arith.addi %get3A_121, %add3A_122 : vector<16xi32>
        %swap3A_124 = arith.constant 64 : index
        %swap3A_125 = tpu.vector_load %arg8[%swap3A_124] {strides = array<i32>} : memref<448xi32, #tpu.memory_space<vmem>>, vector<16xi32>,
        %swap3A_126 = vector.shape_cast %swap3A_125 : vector<16xi32> to vector<16xi32>
        %swap3A_127 = vector.shape_cast %add3A_123 : vector<16xi32> to vector<16xi32>
        tpu.vector_store %arg8[%swap3A_124], %swap3A_127 {strides = array<i32>} : memref<448xi32, #tpu.memory_space<vmem>>, vector<16xi32>,
        %add3A_128 = arith.constant 80 : i32
        %add3A_129 = arith.addi %add3A_74, %add3A_128 : i32
        %get3A_130 = arith.index_cast %add3A_129 : i32 to index
        %get3A_131 = tpu.vector_load %arg7[%get3A_130] {strides = array<i32>} : memref<28224xi32, #tpu.memory_space<vmem>>, vector<16xi32>,
        %get3A_132 = vector.shape_cast %get3A_131 : vector<16xi32> to vector<16xi32>
        %add3A_133 = vector.broadcast %mul3A_69 : i32 to vector<16xi32>
        %add3A_134 = arith.addi %get3A_132, %add3A_133 : vector<16xi32>
        %swap3A_135 = arith.constant 80 : index
        %swap3A_136 = tpu.vector_load %arg8[%swap3A_135] {strides = array<i32>} : memref<448xi32, #tpu.memory_space<vmem>>, vector<16xi32>,
        %swap3A_137 = vector.shape_cast %swap3A_136 : vector<16xi32> to vector<16xi32>
        %swap3A_138 = vector.shape_cast %add3A_134 : vector<16xi32> to vector<16xi32>
        tpu.vector_store %arg8[%swap3A_135], %swap3A_138 {strides = array<i32>} : memref<448xi32, #tpu.memory_space<vmem>>, vector<16xi32>,
        %add3A_139 = arith.constant 96 : i32
        %add3A_140 = arith.addi %add3A_74, %add3A_139 : i32
        %get3A_141 = arith.index_cast %add3A_140 : i32 to index
        %get3A_142 = tpu.vector_load %arg7[%get3A_141] {strides = array<i32>} : memref<28224xi32, #tpu.memory_space<vmem>>, vector<16xi32>,
        %get3A_143 = vector.shape_cast %get3A_142 : vector<16xi32> to vector<16xi32>
        %add3A_144 = vector.broadcast %mul3A_69 : i32 to vector<16xi32>
        %add3A_145 = arith.addi %get3A_143, %add3A_144 : vector<16xi32>
        %swap3A_146 = arith.constant 96 : index
        %swap3A_147 = tpu.vector_load %arg8[%swap3A_146] {strides = array<i32>} : memref<448xi32, #tpu.memory_space<vmem>>, vector<16xi32>,
        %swap3A_148 = vector.shape_cast %swap3A_147 : vector<16xi32> to vector<16xi32>
        %swap3A_149 = vector.shape_cast %add3A_145 : vector<16xi32> to vector<16xi32>
        tpu.vector_store %arg8[%swap3A_146], %swap3A_149 {strides = array<i32>} : memref<448xi32, #tpu.memory_space<vmem>>, vector<16xi32>,
        %add3A_150 = arith.constant 112 : i32
        %add3A_151 = arith.addi %add3A_74, %add3A_150 : i32
        %get3A_152 = arith.index_cast %add3A_151 : i32 to index
        %get3A_153 = tpu.vector_load %arg7[%get3A_152] {strides = array<i32>} : memref<28224xi32, #tpu.memory_space<vmem>>, vector<16xi32>,
        %get3A_154 = vector.shape_cast %get3A_153 : vector<16xi32> to vector<16xi32>
        %add3A_155 = vector.broadcast %mul3A_69 : i32 to vector<16xi32>
        %add3A_156 = arith.addi %get3A_154, %add3A_155 : vector<16xi32>
        %swap3A_157 = arith.constant 112 : index
        %swap3A_158 = tpu.vector_load %arg8[%swap3A_157] {strides = array<i32>} : memref<448xi32, #tpu.memory_space<vmem>>, vector<16xi32>,
        %swap3A_159 = vector.shape_cast %swap3A_158 : vector<16xi32> to vector<16xi32>
        %swap3A_160 = vector.shape_cast %add3A_156 : vector<16xi32> to vector<16xi32>
        tpu.vector_store %arg8[%swap3A_157], %swap3A_160 {strides = array<i32>} : memref<448xi32, #tpu.memory_space<vmem>>, vector<16xi32>,
        %add3A_161 = arith.constant 128 : i32
        %add3A_162 = arith.addi %add3A_74, %add3A_161 : i32
        %get3A_163 = arith.index_cast %add3A_162 : i32 to index
        %get3A_164 = tpu.vector_load %arg7[%get3A_163] {strides = array<i32>} : memref<28224xi32, #tpu.memory_space<vmem>>, vector<16xi32>,
        %get3A_165 = vector.shape_cast %get3A_164 : vector<16xi32> to vector<16xi32>
        %add3A_166 = vector.broadcast %mul3A_69 : i32 to vector<16xi32>
        %add3A_167 = arith.addi %get3A_165, %add3A_166 : vector<16xi32>
        %swap3A_168 = arith.constant 128 : index
        %swap3A_169 = tpu.vector_load %arg8[%swap3A_168] {strides = array<i32>} : memref<448xi32, #tpu.memory_space<vmem>>, vector<16xi32>,
        %swap3A_170 = vector.shape_cast %swap3A_169 : vector<16xi32> to vector<16xi32>
        %swap3A_171 = vector.shape_cast %add3A_167 : vector<16xi32> to vector<16xi32>
        tpu.vector_store %arg8[%swap3A_168], %swap3A_171 {strides = array<i32>} : memref<448xi32, #tpu.memory_space<vmem>>, vector<16xi32>,
        %add3A_172 = arith.constant 144 : i32
        %add3A_173 = arith.addi %add3A_74, %add3A_172 : i32
        %get3A_174 = arith.index_cast %add3A_173 : i32 to index
        %get3A_175 = tpu.vector_load %arg7[%get3A_174] {strides = array<i32>} : memref<28224xi32, #tpu.memory_space<vmem>>, vector<16xi32>,
        %get3A_176 = vector.shape_cast %get3A_175 : vector<16xi32> to vector<16xi32>
        %add3A_177 = vector.broadcast %mul3A_69 : i32 to vector<16xi32>
        %add3A_178 = arith.addi %get3A_176, %add3A_177 : vector<16xi32>
        %swap3A_179 = arith.constant 144 : index
        %swap3A_180 = tpu.vector_load %arg8[%swap3A_179] {strides = array<i32>} : memref<448xi32, #tpu.memory_space<vmem>>, vector<16xi32>,
        %swap3A_181 = vector.shape_cast %swap3A_180 : vector<16xi32> to vector<16xi32>
        %swap3A_182 = vector.shape_cast %add3A_178 : vector<16xi32> to vector<16xi32>
        tpu.vector_store %arg8[%swap3A_179], %swap3A_182 {strides = array<i32>} : memref<448xi32, #tpu.memory_space<vmem>>, vector<16xi32>,
        %add3A_183 = arith.constant 160 : i32
        %add3A_184 = arith.addi %add3A_74, %add3A_183 : i32
        %get3A_185 = arith.index_cast %add3A_184 : i32 to index
        %get3A_186 = tpu.vector_load %arg7[%get3A_185] {strides = array<i32>} : memref<28224xi32, #tpu.memory_space<vmem>>, vector<16xi32>,
        %get3A_187 = vector.shape_cast %get3A_186 : vector<16xi32> to vector<16xi32>
        %add3A_188 = vector.broadcast %mul3A_69 : i32 to vector<16xi32>
        %add3A_189 = arith.addi %get3A_187, %add3A_188 : vector<16xi32>
        %swap3A_190 = arith.constant 160 : index
        %swap3A_191 = tpu.vector_load %arg8[%swap3A_190] {strides = array<i32>} : memref<448xi32, #tpu.memory_space<vmem>>, vector<16xi32>,
        %swap3A_192 = vector.shape_cast %swap3A_191 : vector<16xi32> to vector<16xi32>
        %swap3A_193 = vector.shape_cast %add3A_189 : vector<16xi32> to vector<16xi32>
        tpu.vector_store %arg8[%swap3A_190], %swap3A_193 {strides = array<i32>} : memref<448xi32, #tpu.memory_space<vmem>>, vector<16xi32>,
        %add3A_194 = arith.constant 176 : i32
        %add3A_195 = arith.addi %add3A_74, %add3A_194 : i32
        %get3A_196 = arith.index_cast %add3A_195 : i32 to index
        %get3A_197 = tpu.vector_load %arg7[%get3A_196] {strides = array<i32>} : memref<28224xi32, #tpu.memory_space<vmem>>, vector<16xi32>,
        %get3A_198 = vector.shape_cast %get3A_197 : vector<16xi32> to vector<16xi32>
        %add3A_199 = vector.broadcast %mul3A_69 : i32 to vector<16xi32>
        %add3A_200 = arith.addi %get3A_198, %add3A_199 : vector<16xi32>
        %swap3A_201 = arith.constant 176 : index
        %swap3A_202 = tpu.vector_load %arg8[%swap3A_201] {strides = array<i32>} : memref<448xi32, #tpu.memory_space<vmem>>, vector<16xi32>,
        %swap3A_203 = vector.shape_cast %swap3A_202 : vector<16xi32> to vector<16xi32>
        %swap3A_204 = vector.shape_cast %add3A_200 : vector<16xi32> to vector<16xi32>
        tpu.vector_store %arg8[%swap3A_201], %swap3A_204 {strides = array<i32>} : memref<448xi32, #tpu.memory_space<vmem>>, vector<16xi32>,
        %add3A_205 = arith.constant 192 : i32
        %add3A_206 = arith.addi %add3A_74, %add3A_205 : i32
        %get3A_207 = arith.index_cast %add3A_206 : i32 to index
        %get3A_208 = tpu.vector_load %arg7[%get3A_207] {strides = array<i32>} : memref<28224xi32, #tpu.memory_space<vmem>>, vector<16xi32>,
        %get3A_209 = vector.shape_cast %get3A_208 : vector<16xi32> to vector<16xi32>
        %add3A_210 = vector.broadcast %mul3A_69 : i32 to vector<16xi32>
        %add3A_211 = arith.addi %get3A_209, %add3A_210 : vector<16xi32>
        %swap3A_212 = arith.constant 192 : index
        %swap3A_213 = tpu.vector_load %arg8[%swap3A_212] {strides = array<i32>} : memref<448xi32, #tpu.memory_space<vmem>>, vector<16xi32>,
        %swap3A_214 = vector.shape_cast %swap3A_213 : vector<16xi32> to vector<16xi32>
        %swap3A_215 = vector.shape_cast %add3A_211 : vector<16xi32> to vector<16xi32>
        tpu.vector_store %arg8[%swap3A_212], %swap3A_215 {strides = array<i32>} : memref<448xi32, #tpu.memory_space<vmem>>, vector<16xi32>,
        %add3A_216 = arith.constant 208 : i32
        %add3A_217 = arith.addi %add3A_74, %add3A_216 : i32
        %get3A_218 = arith.index_cast %add3A_217 : i32 to index
        %get3A_219 = tpu.vector_load %arg7[%get3A_218] {strides = array<i32>} : memref<28224xi32, #tpu.memory_space<vmem>>, vector<16xi32>,
        %get3A_220 = vector.shape_cast %get3A_219 : vector<16xi32> to vector<16xi32>
        %add3A_221 = vector.broadcast %mul3A_69 : i32 to vector<16xi32>
        %add3A_222 = arith.addi %get3A_220, %add3A_221 : vector<16xi32>
        %swap3A_223 = arith.constant 208 : index
        %swap3A_224 = tpu.vector_load %arg8[%swap3A_223] {strides = array<i32>} : memref<448xi32, #tpu.memory_space<vmem>>, vector<16xi32>,
        %swap3A_225 = vector.shape_cast %swap3A_224 : vector<16xi32> to vector<16xi32>
        %swap3A_226 = vector.shape_cast %add3A_222 : vector<16xi32> to vector<16xi32>
        tpu.vector_store %arg8[%swap3A_223], %swap3A_226 {strides = array<i32>} : memref<448xi32, #tpu.memory_space<vmem>>, vector<16xi32>,
        %add3A_227 = arith.constant 224 : i32
        %add3A_228 = arith.addi %add3A_74, %add3A_227 : i32
        %get3A_229 = arith.index_cast %add3A_228 : i32 to index
        %get3A_230 = tpu.vector_load %arg7[%get3A_229] {strides = array<i32>} : memref<28224xi32, #tpu.memory_space<vmem>>, vector<16xi32>,
        %get3A_231 = vector.shape_cast %get3A_230 : vector<16xi32> to vector<16xi32>
        %add3A_232 = vector.broadcast %mul3A_69 : i32 to vector<16xi32>
        %add3A_233 = arith.addi %get3A_231, %add3A_232 : vector<16xi32>
        %swap3A_234 = arith.constant 224 : index
        %swap3A_235 = tpu.vector_load %arg8[%swap3A_234] {strides = array<i32>} : memref<448xi32, #tpu.memory_space<vmem>>, vector<16xi32>,
        %swap3A_236 = vector.shape_cast %swap3A_235 : vector<16xi32> to vector<16xi32>
        %swap3A_237 = vector.shape_cast %add3A_233 : vector<16xi32> to vector<16xi32>
        tpu.vector_store %arg8[%swap3A_234], %swap3A_237 {strides = array<i32>} : memref<448xi32, #tpu.memory_space<vmem>>, vector<16xi32>,
        %add3A_238 = arith.constant 240 : i32
        %add3A_239 = arith.addi %add3A_74, %add3A_238 : i32
        %get3A_240 = arith.index_cast %add3A_239 : i32 to index
        %get3A_241 = tpu.vector_load %arg7[%get3A_240] {strides = array<i32>} : memref<28224xi32, #tpu.memory_space<vmem>>, vector<16xi32>,
        %get3A_242 = vector.shape_cast %get3A_241 : vector<16xi32> to vector<16xi32>
        %add3A_243 = vector.broadcast %mul3A_69 : i32 to vector<16xi32>
        %add3A_244 = arith.addi %get3A_242, %add3A_243 : vector<16xi32>
        %swap3A_245 = arith.constant 240 : index
        %swap3A_246 = tpu.vector_load %arg8[%swap3A_245] {strides = array<i32>} : memref<448xi32, #tpu.memory_space<vmem>>, vector<16xi32>,
        %swap3A_247 = vector.shape_cast %swap3A_246 : vector<16xi32> to vector<16xi32>
        %swap3A_248 = vector.shape_cast %add3A_244 : vector<16xi32> to vector<16xi32>
        tpu.vector_store %arg8[%swap3A_245], %swap3A_248 {strides = array<i32>} : memref<448xi32, #tpu.memory_space<vmem>>, vector<16xi32>,
        %add3A_249 = arith.constant 256 : i32
        %add3A_250 = arith.addi %add3A_74, %add3A_249 : i32
        %get3A_251 = arith.index_cast %add3A_250 : i32 to index
        %get3A_252 = tpu.vector_load %arg7[%get3A_251] {strides = array<i32>} : memref<28224xi32, #tpu.memory_space<vmem>>, vector<16xi32>,
        %get3A_253 = vector.shape_cast %get3A_252 : vector<16xi32> to vector<16xi32>
        %add3A_254 = vector.broadcast %mul3A_69 : i32 to vector<16xi32>
        %add3A_255 = arith.addi %get3A_253, %add3A_254 : vector<16xi32>
        %swap3A_256 = arith.constant 256 : index
        %swap3A_257 = tpu.vector_load %arg8[%swap3A_256] {strides = array<i32>} : memref<448xi32, #tpu.memory_space<vmem>>, vector<16xi32>,
        %swap3A_258 = vector.shape_cast %swap3A_257 : vector<16xi32> to vector<16xi32>
        %swap3A_259 = vector.shape_cast %add3A_255 : vector<16xi32> to vector<16xi32>
        tpu.vector_store %arg8[%swap3A_256], %swap3A_259 {strides = array<i32>} : memref<448xi32, #tpu.memory_space<vmem>>, vector<16xi32>,
        %add3A_260 = arith.constant 272 : i32
        %add3A_261 = arith.addi %add3A_74, %add3A_260 : i32
        %get3A_262 = arith.index_cast %add3A_261 : i32 to index
        %get3A_263 = tpu.vector_load %arg7[%get3A_262] {strides = array<i32>} : memref<28224xi32, #tpu.memory_space<vmem>>, vector<16xi32>,
        %get3A_264 = vector.shape_cast %get3A_263 : vector<16xi32> to vector<16xi32>
        %add3A_265 = vector.broadcast %mul3A_69 : i32 to vector<16xi32>
        %add3A_266 = arith.addi %get3A_264, %add3A_265 : vector<16xi32>
        %swap3A_267 = arith.constant 272 : index
        %swap3A_268 = tpu.vector_load %arg8[%swap3A_267] {strides = array<i32>} : memref<448xi32, #tpu.memory_space<vmem>>, vector<16xi32>,
        %swap3A_269 = vector.shape_cast %swap3A_268 : vector<16xi32> to vector<16xi32>
        %swap3A_270 = vector.shape_cast %add3A_266 : vector<16xi32> to vector<16xi32>
        tpu.vector_store %arg8[%swap3A_267], %swap3A_270 {strides = array<i32>} : memref<448xi32, #tpu.memory_space<vmem>>, vector<16xi32>,
        %add3A_271 = arith.constant 288 : i32
        %add3A_272 = arith.addi %add3A_74, %add3A_271 : i32
        %get3A_273 = arith.index_cast %add3A_272 : i32 to index
        %get3A_274 = tpu.vector_load %arg7[%get3A_273] {strides = array<i32>} : memref<28224xi32, #tpu.memory_space<vmem>>, vector<16xi32>,
        %get3A_275 = vector.shape_cast %get3A_274 : vector<16xi32> to vector<16xi32>
        %add3A_276 = vector.broadcast %mul3A_69 : i32 to vector<16xi32>
        %add3A_277 = arith.addi %get3A_275, %add3A_276 : vector<16xi32>
        %swap3A_278 = arith.constant 288 : index
        %swap3A_279 = tpu.vector_load %arg8[%swap3A_278] {strides = array<i32>} : memref<448xi32, #tpu.memory_space<vmem>>, vector<16xi32>,
        %swap3A_280 = vector.shape_cast %swap3A_279 : vector<16xi32> to vector<16xi32>
        %swap3A_281 = vector.shape_cast %add3A_277 : vector<16xi32> to vector<16xi32>
        tpu.vector_store %arg8[%swap3A_278], %swap3A_281 {strides = array<i32>} : memref<448xi32, #tpu.memory_space<vmem>>, vector<16xi32>,
        %add3A_282 = arith.constant 304 : i32
        %add3A_283 = arith.addi %add3A_74, %add3A_282 : i32
        %get3A_284 = arith.index_cast %add3A_283 : i32 to index
        %get3A_285 = tpu.vector_load %arg7[%get3A_284] {strides = array<i32>} : memref<28224xi32, #tpu.memory_space<vmem>>, vector<16xi32>,
        %get3A_286 = vector.shape_cast %get3A_285 : vector<16xi32> to vector<16xi32>
        %add3A_287 = vector.broadcast %mul3A_69 : i32 to vector<16xi32>
        %add3A_288 = arith.addi %get3A_286, %add3A_287 : vector<16xi32>
        %swap3A_289 = arith.constant 304 : index
        %swap3A_290 = tpu.vector_load %arg8[%swap3A_289] {strides = array<i32>} : memref<448xi32, #tpu.memory_space<vmem>>, vector<16xi32>,
        %swap3A_291 = vector.shape_cast %swap3A_290 : vector<16xi32> to vector<16xi32>
        %swap3A_292 = vector.shape_cast %add3A_288 : vector<16xi32> to vector<16xi32>
        tpu.vector_store %arg8[%swap3A_289], %swap3A_292 {strides = array<i32>} : memref<448xi32, #tpu.memory_space<vmem>>, vector<16xi32>,
        %add3A_293 = arith.constant 320 : i32
        %add3A_294 = arith.addi %add3A_74, %add3A_293 : i32
        %get3A_295 = arith.index_cast %add3A_294 : i32 to index
        %get3A_296 = tpu.vector_load %arg7[%get3A_295] {strides = array<i32>} : memref<28224xi32, #tpu.memory_space<vmem>>, vector<16xi32>,
        %get3A_297 = vector.shape_cast %get3A_296 : vector<16xi32> to vector<16xi32>
        %add3A_298 = vector.broadcast %mul3A_69 : i32 to vector<16xi32>
        %add3A_299 = arith.addi %get3A_297, %add3A_298 : vector<16xi32>
        %swap3A_300 = arith.constant 320 : index
        %swap3A_301 = tpu.vector_load %arg8[%swap3A_300] {strides = array<i32>} : memref<448xi32, #tpu.memory_space<vmem>>, vector<16xi32>,
        %swap3A_302 = vector.shape_cast %swap3A_301 : vector<16xi32> to vector<16xi32>
        %swap3A_303 = vector.shape_cast %add3A_299 : vector<16xi32> to vector<16xi32>
        tpu.vector_store %arg8[%swap3A_300], %swap3A_303 {strides = array<i32>} : memref<448xi32, #tpu.memory_space<vmem>>, vector<16xi32>,
        %add3A_304 = arith.constant 336 : i32
        %add3A_305 = arith.addi %add3A_74, %add3A_304 : i32
        %get3A_306 = arith.index_cast %add3A_305 : i32 to index
        %get3A_307 = tpu.vector_load %arg7[%get3A_306] {strides = array<i32>} : memref<28224xi32, #tpu.memory_space<vmem>>, vector<16xi32>,
        %get3A_308 = vector.shape_cast %get3A_307 : vector<16xi32> to vector<16xi32>
        %add3A_309 = vector.broadcast %mul3A_69 : i32 to vector<16xi32>
        %add3A_310 = arith.addi %get3A_308, %add3A_309 : vector<16xi32>
        %swap3A_311 = arith.constant 336 : index
        %swap3A_312 = tpu.vector_load %arg8[%swap3A_311] {strides = array<i32>} : memref<448xi32, #tpu.memory_space<vmem>>, vector<16xi32>,
        %swap3A_313 = vector.shape_cast %swap3A_312 : vector<16xi32> to vector<16xi32>
        %swap3A_314 = vector.shape_cast %add3A_310 : vector<16xi32> to vector<16xi32>
        tpu.vector_store %arg8[%swap3A_311], %swap3A_314 {strides = array<i32>} : memref<448xi32, #tpu.memory_space<vmem>>, vector<16xi32>,
        %add3A_315 = arith.constant 352 : i32
        %add3A_316 = arith.addi %add3A_74, %add3A_315 : i32
        %get3A_317 = arith.index_cast %add3A_316 : i32 to index
        %get3A_318 = tpu.vector_load %arg7[%get3A_317] {strides = array<i32>} : memref<28224xi32, #tpu.memory_space<vmem>>, vector<16xi32>,
        %get3A_319 = vector.shape_cast %get3A_318 : vector<16xi32> to vector<16xi32>
        %add3A_320 = vector.broadcast %mul3A_69 : i32 to vector<16xi32>
        %add3A_321 = arith.addi %get3A_319, %add3A_320 : vector<16xi32>
        %swap3A_322 = arith.constant 352 : index
        %swap3A_323 = tpu.vector_load %arg8[%swap3A_322] {strides = array<i32>} : memref<448xi32, #tpu.memory_space<vmem>>, vector<16xi32>,
        %swap3A_324 = vector.shape_cast %swap3A_323 : vector<16xi32> to vector<16xi32>
        %swap3A_325 = vector.shape_cast %add3A_321 : vector<16xi32> to vector<16xi32>
        tpu.vector_store %arg8[%swap3A_322], %swap3A_325 {strides = array<i32>} : memref<448xi32, #tpu.memory_space<vmem>>, vector<16xi32>,
        %add3A_326 = arith.constant 368 : i32
        %add3A_327 = arith.addi %add3A_74, %add3A_326 : i32
        %get3A_328 = arith.index_cast %add3A_327 : i32 to index
        %get3A_329 = tpu.vector_load %arg7[%get3A_328] {strides = array<i32>} : memref<28224xi32, #tpu.memory_space<vmem>>, vector<16xi32>,
        %get3A_330 = vector.shape_cast %get3A_329 : vector<16xi32> to vector<16xi32>
        %add3A_331 = vector.broadcast %mul3A_69 : i32 to vector<16xi32>
        %add3A_332 = arith.addi %get3A_330, %add3A_331 : vector<16xi32>
        %swap3A_333 = arith.constant 368 : index
        %swap3A_334 = tpu.vector_load %arg8[%swap3A_333] {strides = array<i32>} : memref<448xi32, #tpu.memory_space<vmem>>, vector<16xi32>,
        %swap3A_335 = vector.shape_cast %swap3A_334 : vector<16xi32> to vector<16xi32>
        %swap3A_336 = vector.shape_cast %add3A_332 : vector<16xi32> to vector<16xi32>
        tpu.vector_store %arg8[%swap3A_333], %swap3A_336 {strides = array<i32>} : memref<448xi32, #tpu.memory_space<vmem>>, vector<16xi32>,
        %add3A_337 = arith.constant 384 : i32
        %add3A_338 = arith.addi %add3A_74, %add3A_337 : i32
        %get3A_339 = arith.index_cast %add3A_338 : i32 to index
        %get3A_340 = tpu.vector_load %arg7[%get3A_339] {strides = array<i32>} : memref<28224xi32, #tpu.memory_space<vmem>>, vector<16xi32>,
        %get3A_341 = vector.shape_cast %get3A_340 : vector<16xi32> to vector<16xi32>
        %add3A_342 = vector.broadcast %mul3A_69 : i32 to vector<16xi32>
        %add3A_343 = arith.addi %get3A_341, %add3A_342 : vector<16xi32>
        %swap3A_344 = arith.constant 384 : index
        %swap3A_345 = tpu.vector_load %arg8[%swap3A_344] {strides = array<i32>} : memref<448xi32, #tpu.memory_space<vmem>>, vector<16xi32>,
        %swap3A_346 = vector.shape_cast %swap3A_345 : vector<16xi32> to vector<16xi32>
        %swap3A_347 = vector.shape_cast %add3A_343 : vector<16xi32> to vector<16xi32>
        tpu.vector_store %arg8[%swap3A_344], %swap3A_347 {strides = array<i32>} : memref<448xi32, #tpu.memory_space<vmem>>, vector<16xi32>,
        %add3A_348 = arith.constant 400 : i32
        %add3A_349 = arith.addi %add3A_74, %add3A_348 : i32
        %get3A_350 = arith.index_cast %add3A_349 : i32 to index
        %get3A_351 = tpu.vector_load %arg7[%get3A_350] {strides = array<i32>} : memref<28224xi32, #tpu.memory_space<vmem>>, vector<16xi32>,
        %get3A_352 = vector.shape_cast %get3A_351 : vector<16xi32> to vector<16xi32>
        %add3A_353 = vector.broadcast %mul3A_69 : i32 to vector<16xi32>
        %add3A_354 = arith.addi %get3A_352, %add3A_353 : vector<16xi32>
        %swap3A_355 = arith.constant 400 : index
        %swap3A_356 = tpu.vector_load %arg8[%swap3A_355] {strides = array<i32>} : memref<448xi32, #tpu.memory_space<vmem>>, vector<16xi32>,
        %swap3A_357 = vector.shape_cast %swap3A_356 : vector<16xi32> to vector<16xi32>
        %swap3A_358 = vector.shape_cast %add3A_354 : vector<16xi32> to vector<16xi32>
        tpu.vector_store %arg8[%swap3A_355], %swap3A_358 {strides = array<i32>} : memref<448xi32, #tpu.memory_space<vmem>>, vector<16xi32>,
        %add3A_359 = arith.constant 416 : i32
        %add3A_360 = arith.addi %add3A_74, %add3A_359 : i32
        %get3A_361 = arith.index_cast %add3A_360 : i32 to index
        %get3A_362 = tpu.vector_load %arg7[%get3A_361] {strides = array<i32>} : memref<28224xi32, #tpu.memory_space<vmem>>, vector<16xi32>,
        %get3A_363 = vector.shape_cast %get3A_362 : vector<16xi32> to vector<16xi32>
        %add3A_364 = vector.broadcast %mul3A_69 : i32 to vector<16xi32>
        %add3A_365 = arith.addi %get3A_363, %add3A_364 : vector<16xi32>
        %swap3A_366 = arith.constant 416 : index
        %swap3A_367 = tpu.vector_load %arg8[%swap3A_366] {strides = array<i32>} : memref<448xi32, #tpu.memory_space<vmem>>, vector<16xi32>,
        %swap3A_368 = vector.shape_cast %swap3A_367 : vector<16xi32> to vector<16xi32>
        %swap3A_369 = vector.shape_cast %add3A_365 : vector<16xi32> to vector<16xi32>
        tpu.vector_store %arg8[%swap3A_366], %swap3A_369 {strides = array<i32>} : memref<448xi32, #tpu.memory_space<vmem>>, vector<16xi32>,
        %add3A_370 = arith.constant 432 : i32
        %add3A_371 = arith.addi %add3A_74, %add3A_370 : i32
        %get3A_372 = arith.index_cast %add3A_371 : i32 to index
        %get3A_373 = tpu.vector_load %arg7[%get3A_372] {strides = array<i32>} : memref<28224xi32, #tpu.memory_space<vmem>>, vector<16xi32>,
        %get3A_374 = vector.shape_cast %get3A_373 : vector<16xi32> to vector<16xi32>
        %add3A_375 = vector.broadcast %mul3A_69 : i32 to vector<16xi32>
        %add3A_376 = arith.addi %get3A_374, %add3A_375 : vector<16xi32>
        %swap3A_377 = arith.constant 432 : index
        %swap3A_378 = tpu.vector_load %arg8[%swap3A_377] {strides = array<i32>} : memref<448xi32, #tpu.memory_space<vmem>>, vector<16xi32>,
        %swap3A_379 = vector.shape_cast %swap3A_378 : vector<16xi32> to vector<16xi32>
        %swap3A_380 = vector.shape_cast %add3A_376 : vector<16xi32> to vector<16xi32>
        tpu.vector_store %arg8[%swap3A_377], %swap3A_380 {strides = array<i32>} : memref<448xi32, #tpu.memory_space<vmem>>, vector<16xi32>,
        %dma_start3A = arith.constant 0 : i32
        %dma_start3A_381 = tpu.memref_slice %arg8[%dma_start3A] : memref<448xi32, #tpu.memory_space<vmem>> -> memref<112xi32, #tpu.memory_space<vmem>>
        %dma_start3A_382 = arith.constant 0 : i32
        %dma_start3A_383 = arith.constant 0 : i32
        %dma_start3A_384 = tpu.memref_slice %arg2[%dma_start3A_382, %dma_start3A_383] : memref<903168x128xf32, #tpu.memory_space<hbm>> -> memref<903168x128xf32, #tpu.memory_space<hbm>>
        tpu.enqueue_indirect_dma source(%dma_start3A_384 : memref<903168x128xf32, #tpu.memory_space<hbm>>) target(%arg6 : memref<112x128xf32, #tpu.memory_space<vmem>>) offsets(%dma_start3A_381 : memref<112xi32, #tpu.memory_space<vmem>>) semaphore(%arg9 : memref<!tpu.dma_semaphore, #tpu.memory_space<semaphore_mem>>)
        %dma_wait3A = arith.constant 0 : i32
        %dma_wait3A_385 = tpu.memref_slice %arg8[%dma_wait3A] : memref<448xi32, #tpu.memory_space<vmem>> -> memref<112xi32, #tpu.memory_space<vmem>>
        %dma_wait3A_386 = arith.constant 0 : i32
        %dma_wait3A_387 = arith.constant 0 : i32
        %dma_wait3A_388 = tpu.memref_slice %arg2[%dma_wait3A_386, %dma_wait3A_387] : memref<903168x128xf32, #tpu.memory_space<hbm>> -> memref<903168x128xf32, #tpu.memory_space<hbm>>
        tpu.wait_indirect_dma semaphore(%arg9 : memref<!tpu.dma_semaphore, #tpu.memory_space<semaphore_mem>>) src(%dma_wait3A_388 : memref<903168x128xf32, #tpu.memory_space<hbm>>) dst(%arg6 : memref<112x128xf32, #tpu.memory_space<vmem>>)
        %scan3A_389 = arith.constant 0 : i32
        %scan3A_390 = arith.constant 0 : i32
        %scan3A_391 = arith.constant 112 : i32
        %scan3A_392 = arith.addi %scan3A_390, %scan3A_391 : i32
        %scan3A_393 = arith.constant 1 : i32
        %scan3A_394 = scf.for %scan3A_448 = %scan3A_390 to %scan3A_392 step %scan3A_393 iter_args(%scan3A_449 = %scan3A_389) -> (i32)  : i32 {
          %add3A_450 = arith.constant 0 : i32
          %add3A_451 = arith.addi %add3A_450, %scan3A_448 : i32
          %get3A_452 = arith.index_cast %add3A_451 : i32 to index
          %get3A_453 = arith.constant 0 : index
          %get3A_454 = tpu.vector_load %arg5[%get3A_452, %get3A_453] {strides = array<i32>} : memref<448x128xf32, #tpu.memory_space<vmem>>, vector<1x16xf32>,
          %get3A_455 = vector.shape_cast %get3A_454 : vector<1x16xf32> to vector<16xf32>
          %get3A_456 = arith.index_cast %scan3A_448 : i32 to index
          %get3A_457 = arith.constant 0 : index
          %get3A_458 = tpu.vector_load %arg6[%get3A_456, %get3A_457] {strides = array<i32>} : memref<112x128xf32, #tpu.memory_space<vmem>>, vector<1x16xf32>,
          %get3A_459 = vector.shape_cast %get3A_458 : vector<1x16xf32> to vector<16xf32>
          %add3A_460 = arith.addf %get3A_455, %get3A_459 : vector<16xf32>
          %add3A_461 = arith.constant 0 : i32
          %add3A_462 = arith.addi %add3A_461, %scan3A_448 : i32
          %swap3A_463 = arith.index_cast %add3A_462 : i32 to index
          %swap3A_464 = arith.constant 0 : index
          %swap3A_465 = tpu.vector_load %arg5[%swap3A_463, %swap3A_464] {strides = array<i32>} : memref<448x128xf32, #tpu.memory_space<vmem>>, vector<1x16xf32>,
          %swap3A_466 = vector.shape_cast %swap3A_465 : vector<1x16xf32> to vector<16xf32>
          %swap3A_467 = vector.shape_cast %add3A_460 : vector<16xf32> to vector<1x16xf32>
          tpu.vector_store %arg5[%swap3A_463, %swap3A_464], %swap3A_467 {strides = array<i32>} : memref<448x128xf32, #tpu.memory_space<vmem>>, vector<1x16xf32>,
          %add3A_468 = arith.constant 0 : i32
          %add3A_469 = arith.addi %add3A_468, %scan3A_448 : i32
          %get3A_470 = arith.index_cast %add3A_469 : i32 to index
          %get3A_471 = arith.constant 16 : index
          %get3A_472 = tpu.vector_load %arg5[%get3A_470, %get3A_471] {strides = array<i32>} : memref<448x128xf32, #tpu.memory_space<vmem>>, vector<1x16xf32>,
          %get3A_473 = vector.shape_cast %get3A_472 : vector<1x16xf32> to vector<16xf32>
          %get3A_474 = arith.index_cast %scan3A_448 : i32 to index
          %get3A_475 = arith.constant 16 : index
          %get3A_476 = tpu.vector_load %arg6[%get3A_474, %get3A_475] {strides = array<i32>} : memref<112x128xf32, #tpu.memory_space<vmem>>, vector<1x16xf32>,
          %get3A_477 = vector.shape_cast %get3A_476 : vector<1x16xf32> to vector<16xf32>
          %add3A_478 = arith.addf %get3A_473, %get3A_477 : vector<16xf32>
          %add3A_479 = arith.constant 0 : i32
          %add3A_480 = arith.addi %add3A_479, %scan3A_448 : i32
          %swap3A_481 = arith.index_cast %add3A_480 : i32 to index
          %swap3A_482 = arith.constant 16 : index
          %swap3A_483 = tpu.vector_load %arg5[%swap3A_481, %swap3A_482] {strides = array<i32>} : memref<448x128xf32, #tpu.memory_space<vmem>>, vector<1x16xf32>,
          %swap3A_484 = vector.shape_cast %swap3A_483 : vector<1x16xf32> to vector<16xf32>
          %swap3A_485 = vector.shape_cast %add3A_478 : vector<16xf32> to vector<1x16xf32>
          tpu.vector_store %arg5[%swap3A_481, %swap3A_482], %swap3A_485 {strides = array<i32>} : memref<448x128xf32, #tpu.memory_space<vmem>>, vector<1x16xf32>,
          %add3A_486 = arith.constant 0 : i32
          %add3A_487 = arith.addi %add3A_486, %scan3A_448 : i32
          %get3A_488 = arith.index_cast %add3A_487 : i32 to index
          %get3A_489 = arith.constant 32 : index
          %get3A_490 = tpu.vector_load %arg5[%get3A_488, %get3A_489] {strides = array<i32>} : memref<448x128xf32, #tpu.memory_space<vmem>>, vector<1x16xf32>,
          %get3A_491 = vector.shape_cast %get3A_490 : vector<1x16xf32> to vector<16xf32>
          %get3A_492 = arith.index_cast %scan3A_448 : i32 to index
          %get3A_493 = arith.constant 32 : index
          %get3A_494 = tpu.vector_load %arg6[%get3A_492, %get3A_493] {strides = array<i32>} : memref<112x128xf32, #tpu.memory_space<vmem>>, vector<1x16xf32>,
          %get3A_495 = vector.shape_cast %get3A_494 : vector<1x16xf32> to vector<16xf32>
          %add3A_496 = arith.addf %get3A_491, %get3A_495 : vector<16xf32>
          %add3A_497 = arith.constant 0 : i32
          %add3A_498 = arith.addi %add3A_497, %scan3A_448 : i32
          %swap3A_499 = arith.index_cast %add3A_498 : i32 to index
          %swap3A_500 = arith.constant 32 : index
          %swap3A_501 = tpu.vector_load %arg5[%swap3A_499, %swap3A_500] {strides = array<i32>} : memref<448x128xf32, #tpu.memory_space<vmem>>, vector<1x16xf32>,
          %swap3A_502 = vector.shape_cast %swap3A_501 : vector<1x16xf32> to vector<16xf32>
          %swap3A_503 = vector.shape_cast %add3A_496 : vector<16xf32> to vector<1x16xf32>
          tpu.vector_store %arg5[%swap3A_499, %swap3A_500], %swap3A_503 {strides = array<i32>} : memref<448x128xf32, #tpu.memory_space<vmem>>, vector<1x16xf32>,
          %add3A_504 = arith.constant 0 : i32
          %add3A_505 = arith.addi %add3A_504, %scan3A_448 : i32
          %get3A_506 = arith.index_cast %add3A_505 : i32 to index
          %get3A_507 = arith.constant 48 : index
          %get3A_508 = tpu.vector_load %arg5[%get3A_506, %get3A_507] {strides = array<i32>} : memref<448x128xf32, #tpu.memory_space<vmem>>, vector<1x16xf32>,
          %get3A_509 = vector.shape_cast %get3A_508 : vector<1x16xf32> to vector<16xf32>
          %get3A_510 = arith.index_cast %scan3A_448 : i32 to index
          %get3A_511 = arith.constant 48 : index
          %get3A_512 = tpu.vector_load %arg6[%get3A_510, %get3A_511] {strides = array<i32>} : memref<112x128xf32, #tpu.memory_space<vmem>>, vector<1x16xf32>,
          %get3A_513 = vector.shape_cast %get3A_512 : vector<1x16xf32> to vector<16xf32>
          %add3A_514 = arith.addf %get3A_509, %get3A_513 : vector<16xf32>
          %add3A_515 = arith.constant 0 : i32
          %add3A_516 = arith.addi %add3A_515, %scan3A_448 : i32
          %swap3A_517 = arith.index_cast %add3A_516 : i32 to index
          %swap3A_518 = arith.constant 48 : index
          %swap3A_519 = tpu.vector_load %arg5[%swap3A_517, %swap3A_518] {strides = array<i32>} : memref<448x128xf32, #tpu.memory_space<vmem>>, vector<1x16xf32>,
          %swap3A_520 = vector.shape_cast %swap3A_519 : vector<1x16xf32> to vector<16xf32>
          %swap3A_521 = vector.shape_cast %add3A_514 : vector<16xf32> to vector<1x16xf32>
          tpu.vector_store %arg5[%swap3A_517, %swap3A_518], %swap3A_521 {strides = array<i32>} : memref<448x128xf32, #tpu.memory_space<vmem>>, vector<1x16xf32>,
          %add3A_522 = arith.constant 0 : i32
          %add3A_523 = arith.addi %add3A_522, %scan3A_448 : i32
          %get3A_524 = arith.index_cast %add3A_523 : i32 to index
          %get3A_525 = arith.constant 64 : index
          %get3A_526 = tpu.vector_load %arg5[%get3A_524, %get3A_525] {strides = array<i32>} : memref<448x128xf32, #tpu.memory_space<vmem>>, vector<1x16xf32>,
          %get3A_527 = vector.shape_cast %get3A_526 : vector<1x16xf32> to vector<16xf32>
          %get3A_528 = arith.index_cast %scan3A_448 : i32 to index
          %get3A_529 = arith.constant 64 : index
          %get3A_530 = tpu.vector_load %arg6[%get3A_528, %get3A_529] {strides = array<i32>} : memref<112x128xf32, #tpu.memory_space<vmem>>, vector<1x16xf32>,
          %get3A_531 = vector.shape_cast %get3A_530 : vector<1x16xf32> to vector<16xf32>
          %add3A_532 = arith.addf %get3A_527, %get3A_531 : vector<16xf32>
          %add3A_533 = arith.constant 0 : i32
          %add3A_534 = arith.addi %add3A_533, %scan3A_448 : i32
          %swap3A_535 = arith.index_cast %add3A_534 : i32 to index
          %swap3A_536 = arith.constant 64 : index
          %swap3A_537 = tpu.vector_load %arg5[%swap3A_535, %swap3A_536] {strides = array<i32>} : memref<448x128xf32, #tpu.memory_space<vmem>>, vector<1x16xf32>,
          %swap3A_538 = vector.shape_cast %swap3A_537 : vector<1x16xf32> to vector<16xf32>
          %swap3A_539 = vector.shape_cast %add3A_532 : vector<16xf32> to vector<1x16xf32>
          tpu.vector_store %arg5[%swap3A_535, %swap3A_536], %swap3A_539 {strides = array<i32>} : memref<448x128xf32, #tpu.memory_space<vmem>>, vector<1x16xf32>,
          %add3A_540 = arith.constant 0 : i32
          %add3A_541 = arith.addi %add3A_540, %scan3A_448 : i32
          %get3A_542 = arith.index_cast %add3A_541 : i32 to index
          %get3A_543 = arith.constant 80 : index
          %get3A_544 = tpu.vector_load %arg5[%get3A_542, %get3A_543] {strides = array<i32>} : memref<448x128xf32, #tpu.memory_space<vmem>>, vector<1x16xf32>,
          %get3A_545 = vector.shape_cast %get3A_544 : vector<1x16xf32> to vector<16xf32>
          %get3A_546 = arith.index_cast %scan3A_448 : i32 to index
          %get3A_547 = arith.constant 80 : index
          %get3A_548 = tpu.vector_load %arg6[%get3A_546, %get3A_547] {strides = array<i32>} : memref<112x128xf32, #tpu.memory_space<vmem>>, vector<1x16xf32>,
          %get3A_549 = vector.shape_cast %get3A_548 : vector<1x16xf32> to vector<16xf32>
          %add3A_550 = arith.addf %get3A_545, %get3A_549 : vector<16xf32>
          %add3A_551 = arith.constant 0 : i32
          %add3A_552 = arith.addi %add3A_551, %scan3A_448 : i32
          %swap3A_553 = arith.index_cast %add3A_552 : i32 to index
          %swap3A_554 = arith.constant 80 : index
          %swap3A_555 = tpu.vector_load %arg5[%swap3A_553, %swap3A_554] {strides = array<i32>} : memref<448x128xf32, #tpu.memory_space<vmem>>, vector<1x16xf32>,
          %swap3A_556 = vector.shape_cast %swap3A_555 : vector<1x16xf32> to vector<16xf32>
          %swap3A_557 = vector.shape_cast %add3A_550 : vector<16xf32> to vector<1x16xf32>
          tpu.vector_store %arg5[%swap3A_553, %swap3A_554], %swap3A_557 {strides = array<i32>} : memref<448x128xf32, #tpu.memory_space<vmem>>, vector<1x16xf32>,
          %scan3A_558 = arith.constant 0 : i32
          scf.yield %scan3A_558 : i32
        }
        %scan3A_395 = arith.constant 112 : i32
        %dma_start3A_396 = arith.constant 112 : i32
        %dma_start3A_397 = tpu.memref_slice %arg8[%dma_start3A_396] : memref<448xi32, #tpu.memory_space<vmem>> -> memref<112xi32, #tpu.memory_space<vmem>>
        %dma_start3A_398 = arith.constant 0 : i32
        %dma_start3A_399 = arith.constant 0 : i32
        %dma_start3A_400 = tpu.memref_slice %arg2[%dma_start3A_398, %dma_start3A_399] : memref<903168x128xf32, #tpu.memory_space<hbm>> -> memref<903168x128xf32, #tpu.memory_space<hbm>>
        tpu.enqueue_indirect_dma source(%dma_start3A_400 : memref<903168x128xf32, #tpu.memory_space<hbm>>) target(%arg6 : memref<112x128xf32, #tpu.memory_space<vmem>>) offsets(%dma_start3A_397 : memref<112xi32, #tpu.memory_space<vmem>>) semaphore(%arg9 : memref<!tpu.dma_semaphore, #tpu.memory_space<semaphore_mem>>)
        %dma_wait3A_401 = arith.constant 112 : i32
        %dma_wait3A_402 = tpu.memref_slice %arg8[%dma_wait3A_401] : memref<448xi32, #tpu.memory_space<vmem>> -> memref<112xi32, #tpu.memory_space<vmem>>
        %dma_wait3A_403 = arith.constant 0 : i32
        %dma_wait3A_404 = arith.constant 0 : i32
        %dma_wait3A_405 = tpu.memref_slice %arg2[%dma_wait3A_403, %dma_wait3A_404] : memref<903168x128xf32, #tpu.memory_space<hbm>> -> memref<903168x128xf32, #tpu.memory_space<hbm>>
        tpu.wait_indirect_dma semaphore(%arg9 : memref<!tpu.dma_semaphore, #tpu.memory_space<semaphore_mem>>) src(%dma_wait3A_405 : memref<903168x128xf32, #tpu.memory_space<hbm>>) dst(%arg6 : memref<112x128xf32, #tpu.memory_space<vmem>>)
        %scan3A_406 = arith.constant 0 : i32
        %scan3A_407 = arith.constant 0 : i32
        %scan3A_408 = arith.constant 112 : i32
        %scan3A_409 = arith.addi %scan3A_407, %scan3A_408 : i32
        %scan3A_410 = arith.constant 1 : i32
        %scan3A_411 = scf.for %scan3A_448 = %scan3A_407 to %scan3A_409 step %scan3A_410 iter_args(%scan3A_449 = %scan3A_406) -> (i32)  : i32 {
          %add3A_450 = arith.constant 112 : i32
          %add3A_451 = arith.addi %add3A_450, %scan3A_448 : i32
          %get3A_452 = arith.index_cast %add3A_451 : i32 to index
          %get3A_453 = arith.constant 0 : index
          %get3A_454 = tpu.vector_load %arg5[%get3A_452, %get3A_453] {strides = array<i32>} : memref<448x128xf32, #tpu.memory_space<vmem>>, vector<1x16xf32>,
          %get3A_455 = vector.shape_cast %get3A_454 : vector<1x16xf32> to vector<16xf32>
          %get3A_456 = arith.index_cast %scan3A_448 : i32 to index
          %get3A_457 = arith.constant 0 : index
          %get3A_458 = tpu.vector_load %arg6[%get3A_456, %get3A_457] {strides = array<i32>} : memref<112x128xf32, #tpu.memory_space<vmem>>, vector<1x16xf32>,
          %get3A_459 = vector.shape_cast %get3A_458 : vector<1x16xf32> to vector<16xf32>
          %add3A_460 = arith.addf %get3A_455, %get3A_459 : vector<16xf32>
          %add3A_461 = arith.constant 112 : i32
          %add3A_462 = arith.addi %add3A_461, %scan3A_448 : i32
          %swap3A_463 = arith.index_cast %add3A_462 : i32 to index
          %swap3A_464 = arith.constant 0 : index
          %swap3A_465 = tpu.vector_load %arg5[%swap3A_463, %swap3A_464] {strides = array<i32>} : memref<448x128xf32, #tpu.memory_space<vmem>>, vector<1x16xf32>,
          %swap3A_466 = vector.shape_cast %swap3A_465 : vector<1x16xf32> to vector<16xf32>
          %swap3A_467 = vector.shape_cast %add3A_460 : vector<16xf32> to vector<1x16xf32>
          tpu.vector_store %arg5[%swap3A_463, %swap3A_464], %swap3A_467 {strides = array<i32>} : memref<448x128xf32, #tpu.memory_space<vmem>>, vector<1x16xf32>,
          %add3A_468 = arith.constant 112 : i32
          %add3A_469 = arith.addi %add3A_468, %scan3A_448 : i32
          %get3A_470 = arith.index_cast %add3A_469 : i32 to index
          %get3A_471 = arith.constant 16 : index
          %get3A_472 = tpu.vector_load %arg5[%get3A_470, %get3A_471] {strides = array<i32>} : memref<448x128xf32, #tpu.memory_space<vmem>>, vector<1x16xf32>,
          %get3A_473 = vector.shape_cast %get3A_472 : vector<1x16xf32> to vector<16xf32>
          %get3A_474 = arith.index_cast %scan3A_448 : i32 to index
          %get3A_475 = arith.constant 16 : index
          %get3A_476 = tpu.vector_load %arg6[%get3A_474, %get3A_475] {strides = array<i32>} : memref<112x128xf32, #tpu.memory_space<vmem>>, vector<1x16xf32>,
          %get3A_477 = vector.shape_cast %get3A_476 : vector<1x16xf32> to vector<16xf32>
          %add3A_478 = arith.addf %get3A_473, %get3A_477 : vector<16xf32>
          %add3A_479 = arith.constant 112 : i32
          %add3A_480 = arith.addi %add3A_479, %scan3A_448 : i32
          %swap3A_481 = arith.index_cast %add3A_480 : i32 to index
          %swap3A_482 = arith.constant 16 : index
          %swap3A_483 = tpu.vector_load %arg5[%swap3A_481, %swap3A_482] {strides = array<i32>} : memref<448x128xf32, #tpu.memory_space<vmem>>, vector<1x16xf32>,
          %swap3A_484 = vector.shape_cast %swap3A_483 : vector<1x16xf32> to vector<16xf32>
          %swap3A_485 = vector.shape_cast %add3A_478 : vector<16xf32> to vector<1x16xf32>
          tpu.vector_store %arg5[%swap3A_481, %swap3A_482], %swap3A_485 {strides = array<i32>} : memref<448x128xf32, #tpu.memory_space<vmem>>, vector<1x16xf32>,
          %add3A_486 = arith.constant 112 : i32
          %add3A_487 = arith.addi %add3A_486, %scan3A_448 : i32
          %get3A_488 = arith.index_cast %add3A_487 : i32 to index
          %get3A_489 = arith.constant 32 : index
          %get3A_490 = tpu.vector_load %arg5[%get3A_488, %get3A_489] {strides = array<i32>} : memref<448x128xf32, #tpu.memory_space<vmem>>, vector<1x16xf32>,
          %get3A_491 = vector.shape_cast %get3A_490 : vector<1x16xf32> to vector<16xf32>
          %get3A_492 = arith.index_cast %scan3A_448 : i32 to index
          %get3A_493 = arith.constant 32 : index
          %get3A_494 = tpu.vector_load %arg6[%get3A_492, %get3A_493] {strides = array<i32>} : memref<112x128xf32, #tpu.memory_space<vmem>>, vector<1x16xf32>,
          %get3A_495 = vector.shape_cast %get3A_494 : vector<1x16xf32> to vector<16xf32>
          %add3A_496 = arith.addf %get3A_491, %get3A_495 : vector<16xf32>
          %add3A_497 = arith.constant 112 : i32
          %add3A_498 = arith.addi %add3A_497, %scan3A_448 : i32
          %swap3A_499 = arith.index_cast %add3A_498 : i32 to index
          %swap3A_500 = arith.constant 32 : index
          %swap3A_501 = tpu.vector_load %arg5[%swap3A_499, %swap3A_500] {strides = array<i32>} : memref<448x128xf32, #tpu.memory_space<vmem>>, vector<1x16xf32>,
          %swap3A_502 = vector.shape_cast %swap3A_501 : vector<1x16xf32> to vector<16xf32>
          %swap3A_503 = vector.shape_cast %add3A_496 : vector<16xf32> to vector<1x16xf32>
          tpu.vector_store %arg5[%swap3A_499, %swap3A_500], %swap3A_503 {strides = array<i32>} : memref<448x128xf32, #tpu.memory_space<vmem>>, vector<1x16xf32>,
          %add3A_504 = arith.constant 112 : i32
          %add3A_505 = arith.addi %add3A_504, %scan3A_448 : i32
          %get3A_506 = arith.index_cast %add3A_505 : i32 to index
          %get3A_507 = arith.constant 48 : index
          %get3A_508 = tpu.vector_load %arg5[%get3A_506, %get3A_507] {strides = array<i32>} : memref<448x128xf32, #tpu.memory_space<vmem>>, vector<1x16xf32>,
          %get3A_509 = vector.shape_cast %get3A_508 : vector<1x16xf32> to vector<16xf32>
          %get3A_510 = arith.index_cast %scan3A_448 : i32 to index
          %get3A_511 = arith.constant 48 : index
          %get3A_512 = tpu.vector_load %arg6[%get3A_510, %get3A_511] {strides = array<i32>} : memref<112x128xf32, #tpu.memory_space<vmem>>, vector<1x16xf32>,
          %get3A_513 = vector.shape_cast %get3A_512 : vector<1x16xf32> to vector<16xf32>
          %add3A_514 = arith.addf %get3A_509, %get3A_513 : vector<16xf32>
          %add3A_515 = arith.constant 112 : i32
          %add3A_516 = arith.addi %add3A_515, %scan3A_448 : i32
          %swap3A_517 = arith.index_cast %add3A_516 : i32 to index
          %swap3A_518 = arith.constant 48 : index
          %swap3A_519 = tpu.vector_load %arg5[%swap3A_517, %swap3A_518] {strides = array<i32>} : memref<448x128xf32, #tpu.memory_space<vmem>>, vector<1x16xf32>,
          %swap3A_520 = vector.shape_cast %swap3A_519 : vector<1x16xf32> to vector<16xf32>
          %swap3A_521 = vector.shape_cast %add3A_514 : vector<16xf32> to vector<1x16xf32>
          tpu.vector_store %arg5[%swap3A_517, %swap3A_518], %swap3A_521 {strides = array<i32>} : memref<448x128xf32, #tpu.memory_space<vmem>>, vector<1x16xf32>,
          %add3A_522 = arith.constant 112 : i32
          %add3A_523 = arith.addi %add3A_522, %scan3A_448 : i32
          %get3A_524 = arith.index_cast %add3A_523 : i32 to index
          %get3A_525 = arith.constant 64 : index
          %get3A_526 = tpu.vector_load %arg5[%get3A_524, %get3A_525] {strides = array<i32>} : memref<448x128xf32, #tpu.memory_space<vmem>>, vector<1x16xf32>,
          %get3A_527 = vector.shape_cast %get3A_526 : vector<1x16xf32> to vector<16xf32>
          %get3A_528 = arith.index_cast %scan3A_448 : i32 to index
          %get3A_529 = arith.constant 64 : index
          %get3A_530 = tpu.vector_load %arg6[%get3A_528, %get3A_529] {strides = array<i32>} : memref<112x128xf32, #tpu.memory_space<vmem>>, vector<1x16xf32>,
          %get3A_531 = vector.shape_cast %get3A_530 : vector<1x16xf32> to vector<16xf32>
          %add3A_532 = arith.addf %get3A_527, %get3A_531 : vector<16xf32>
          %add3A_533 = arith.constant 112 : i32
          %add3A_534 = arith.addi %add3A_533, %scan3A_448 : i32
          %swap3A_535 = arith.index_cast %add3A_534 : i32 to index
          %swap3A_536 = arith.constant 64 : index
          %swap3A_537 = tpu.vector_load %arg5[%swap3A_535, %swap3A_536] {strides = array<i32>} : memref<448x128xf32, #tpu.memory_space<vmem>>, vector<1x16xf32>,
          %swap3A_538 = vector.shape_cast %swap3A_537 : vector<1x16xf32> to vector<16xf32>
          %swap3A_539 = vector.shape_cast %add3A_532 : vector<16xf32> to vector<1x16xf32>
          tpu.vector_store %arg5[%swap3A_535, %swap3A_536], %swap3A_539 {strides = array<i32>} : memref<448x128xf32, #tpu.memory_space<vmem>>, vector<1x16xf32>,
          %add3A_540 = arith.constant 112 : i32
          %add3A_541 = arith.addi %add3A_540, %scan3A_448 : i32
          %get3A_542 = arith.index_cast %add3A_541 : i32 to index
          %get3A_543 = arith.constant 80 : index
          %get3A_544 = tpu.vector_load %arg5[%get3A_542, %get3A_543] {strides = array<i32>} : memref<448x128xf32, #tpu.memory_space<vmem>>, vector<1x16xf32>,
          %get3A_545 = vector.shape_cast %get3A_544 : vector<1x16xf32> to vector<16xf32>
          %get3A_546 = arith.index_cast %scan3A_448 : i32 to index
          %get3A_547 = arith.constant 80 : index
          %get3A_548 = tpu.vector_load %arg6[%get3A_546, %get3A_547] {strides = array<i32>} : memref<112x128xf32, #tpu.memory_space<vmem>>, vector<1x16xf32>,
          %get3A_549 = vector.shape_cast %get3A_548 : vector<1x16xf32> to vector<16xf32>
          %add3A_550 = arith.addf %get3A_545, %get3A_549 : vector<16xf32>
          %add3A_551 = arith.constant 112 : i32
          %add3A_552 = arith.addi %add3A_551, %scan3A_448 : i32
          %swap3A_553 = arith.index_cast %add3A_552 : i32 to index
          %swap3A_554 = arith.constant 80 : index
          %swap3A_555 = tpu.vector_load %arg5[%swap3A_553, %swap3A_554] {strides = array<i32>} : memref<448x128xf32, #tpu.memory_space<vmem>>, vector<1x16xf32>,
          %swap3A_556 = vector.shape_cast %swap3A_555 : vector<1x16xf32> to vector<16xf32>
          %swap3A_557 = vector.shape_cast %add3A_550 : vector<16xf32> to vector<1x16xf32>
          tpu.vector_store %arg5[%swap3A_553, %swap3A_554], %swap3A_557 {strides = array<i32>} : memref<448x128xf32, #tpu.memory_space<vmem>>, vector<1x16xf32>,
          %scan3A_558 = arith.constant 0 : i32
          scf.yield %scan3A_558 : i32
        }
        %scan3A_412 = arith.constant 112 : i32
        %dma_start3A_413 = arith.constant 224 : i32
        %dma_start3A_414 = tpu.memref_slice %arg8[%dma_start3A_413] : memref<448xi32, #tpu.memory_space<vmem>> -> memref<112xi32, #tpu.memory_space<vmem>>
        %dma_start3A_415 = arith.constant 0 : i32
        %dma_start3A_416 = arith.constant 0 : i32
        %dma_start3A_417 = tpu.memref_slice %arg2[%dma_start3A_415, %dma_start3A_416] : memref<903168x128xf32, #tpu.memory_space<hbm>> -> memref<903168x128xf32, #tpu.memory_space<hbm>>
        tpu.enqueue_indirect_dma source(%dma_start3A_417 : memref<903168x128xf32, #tpu.memory_space<hbm>>) target(%arg6 : memref<112x128xf32, #tpu.memory_space<vmem>>) offsets(%dma_start3A_414 : memref<112xi32, #tpu.memory_space<vmem>>) semaphore(%arg9 : memref<!tpu.dma_semaphore, #tpu.memory_space<semaphore_mem>>)
        %dma_wait3A_418 = arith.constant 224 : i32
        %dma_wait3A_419 = tpu.memref_slice %arg8[%dma_wait3A_418] : memref<448xi32, #tpu.memory_space<vmem>> -> memref<112xi32, #tpu.memory_space<vmem>>
        %dma_wait3A_420 = arith.constant 0 : i32
        %dma_wait3A_421 = arith.constant 0 : i32
        %dma_wait3A_422 = tpu.memref_slice %arg2[%dma_wait3A_420, %dma_wait3A_421] : memref<903168x128xf32, #tpu.memory_space<hbm>> -> memref<903168x128xf32, #tpu.memory_space<hbm>>
        tpu.wait_indirect_dma semaphore(%arg9 : memref<!tpu.dma_semaphore, #tpu.memory_space<semaphore_mem>>) src(%dma_wait3A_422 : memref<903168x128xf32, #tpu.memory_space<hbm>>) dst(%arg6 : memref<112x128xf32, #tpu.memory_space<vmem>>)
        %scan3A_423 = arith.constant 0 : i32
        %scan3A_424 = arith.constant 0 : i32
        %scan3A_425 = arith.constant 112 : i32
        %scan3A_426 = arith.addi %scan3A_424, %scan3A_425 : i32
        %scan3A_427 = arith.constant 1 : i32
        %scan3A_428 = scf.for %scan3A_448 = %scan3A_424 to %scan3A_426 step %scan3A_427 iter_args(%scan3A_449 = %scan3A_423) -> (i32)  : i32 {
          %add3A_450 = arith.constant 224 : i32
          %add3A_451 = arith.addi %add3A_450, %scan3A_448 : i32
          %get3A_452 = arith.index_cast %add3A_451 : i32 to index
          %get3A_453 = arith.constant 0 : index
          %get3A_454 = tpu.vector_load %arg5[%get3A_452, %get3A_453] {strides = array<i32>} : memref<448x128xf32, #tpu.memory_space<vmem>>, vector<1x16xf32>,
          %get3A_455 = vector.shape_cast %get3A_454 : vector<1x16xf32> to vector<16xf32>
          %get3A_456 = arith.index_cast %scan3A_448 : i32 to index
          %get3A_457 = arith.constant 0 : index
          %get3A_458 = tpu.vector_load %arg6[%get3A_456, %get3A_457] {strides = array<i32>} : memref<112x128xf32, #tpu.memory_space<vmem>>, vector<1x16xf32>,
          %get3A_459 = vector.shape_cast %get3A_458 : vector<1x16xf32> to vector<16xf32>
          %add3A_460 = arith.addf %get3A_455, %get3A_459 : vector<16xf32>
          %add3A_461 = arith.constant 224 : i32
          %add3A_462 = arith.addi %add3A_461, %scan3A_448 : i32
          %swap3A_463 = arith.index_cast %add3A_462 : i32 to index
          %swap3A_464 = arith.constant 0 : index
          %swap3A_465 = tpu.vector_load %arg5[%swap3A_463, %swap3A_464] {strides = array<i32>} : memref<448x128xf32, #tpu.memory_space<vmem>>, vector<1x16xf32>,
          %swap3A_466 = vector.shape_cast %swap3A_465 : vector<1x16xf32> to vector<16xf32>
          %swap3A_467 = vector.shape_cast %add3A_460 : vector<16xf32> to vector<1x16xf32>
          tpu.vector_store %arg5[%swap3A_463, %swap3A_464], %swap3A_467 {strides = array<i32>} : memref<448x128xf32, #tpu.memory_space<vmem>>, vector<1x16xf32>,
          %add3A_468 = arith.constant 224 : i32
          %add3A_469 = arith.addi %add3A_468, %scan3A_448 : i32
          %get3A_470 = arith.index_cast %add3A_469 : i32 to index
          %get3A_471 = arith.constant 16 : index
          %get3A_472 = tpu.vector_load %arg5[%get3A_470, %get3A_471] {strides = array<i32>} : memref<448x128xf32, #tpu.memory_space<vmem>>, vector<1x16xf32>,
          %get3A_473 = vector.shape_cast %get3A_472 : vector<1x16xf32> to vector<16xf32>
          %get3A_474 = arith.index_cast %scan3A_448 : i32 to index
          %get3A_475 = arith.constant 16 : index
          %get3A_476 = tpu.vector_load %arg6[%get3A_474, %get3A_475] {strides = array<i32>} : memref<112x128xf32, #tpu.memory_space<vmem>>, vector<1x16xf32>,
          %get3A_477 = vector.shape_cast %get3A_476 : vector<1x16xf32> to vector<16xf32>
          %add3A_478 = arith.addf %get3A_473, %get3A_477 : vector<16xf32>
          %add3A_479 = arith.constant 224 : i32
          %add3A_480 = arith.addi %add3A_479, %scan3A_448 : i32
          %swap3A_481 = arith.index_cast %add3A_480 : i32 to index
          %swap3A_482 = arith.constant 16 : index
          %swap3A_483 = tpu.vector_load %arg5[%swap3A_481, %swap3A_482] {strides = array<i32>} : memref<448x128xf32, #tpu.memory_space<vmem>>, vector<1x16xf32>,
          %swap3A_484 = vector.shape_cast %swap3A_483 : vector<1x16xf32> to vector<16xf32>
          %swap3A_485 = vector.shape_cast %add3A_478 : vector<16xf32> to vector<1x16xf32>
          tpu.vector_store %arg5[%swap3A_481, %swap3A_482], %swap3A_485 {strides = array<i32>} : memref<448x128xf32, #tpu.memory_space<vmem>>, vector<1x16xf32>,
          %add3A_486 = arith.constant 224 : i32
          %add3A_487 = arith.addi %add3A_486, %scan3A_448 : i32
          %get3A_488 = arith.index_cast %add3A_487 : i32 to index
          %get3A_489 = arith.constant 32 : index
          %get3A_490 = tpu.vector_load %arg5[%get3A_488, %get3A_489] {strides = array<i32>} : memref<448x128xf32, #tpu.memory_space<vmem>>, vector<1x16xf32>,
          %get3A_491 = vector.shape_cast %get3A_490 : vector<1x16xf32> to vector<16xf32>
          %get3A_492 = arith.index_cast %scan3A_448 : i32 to index
          %get3A_493 = arith.constant 32 : index
          %get3A_494 = tpu.vector_load %arg6[%get3A_492, %get3A_493] {strides = array<i32>} : memref<112x128xf32, #tpu.memory_space<vmem>>, vector<1x16xf32>,
          %get3A_495 = vector.shape_cast %get3A_494 : vector<1x16xf32> to vector<16xf32>
          %add3A_496 = arith.addf %get3A_491, %get3A_495 : vector<16xf32>
          %add3A_497 = arith.constant 224 : i32
          %add3A_498 = arith.addi %add3A_497, %scan3A_448 : i32
          %swap3A_499 = arith.index_cast %add3A_498 : i32 to index
          %swap3A_500 = arith.constant 32 : index
          %swap3A_501 = tpu.vector_load %arg5[%swap3A_499, %swap3A_500] {strides = array<i32>} : memref<448x128xf32, #tpu.memory_space<vmem>>, vector<1x16xf32>,
          %swap3A_502 = vector.shape_cast %swap3A_501 : vector<1x16xf32> to vector<16xf32>
          %swap3A_503 = vector.shape_cast %add3A_496 : vector<16xf32> to vector<1x16xf32>
          tpu.vector_store %arg5[%swap3A_499, %swap3A_500], %swap3A_503 {strides = array<i32>} : memref<448x128xf32, #tpu.memory_space<vmem>>, vector<1x16xf32>,
          %add3A_504 = arith.constant 224 : i32
          %add3A_505 = arith.addi %add3A_504, %scan3A_448 : i32
          %get3A_506 = arith.index_cast %add3A_505 : i32 to index
          %get3A_507 = arith.constant 48 : index
          %get3A_508 = tpu.vector_load %arg5[%get3A_506, %get3A_507] {strides = array<i32>} : memref<448x128xf32, #tpu.memory_space<vmem>>, vector<1x16xf32>,
          %get3A_509 = vector.shape_cast %get3A_508 : vector<1x16xf32> to vector<16xf32>
          %get3A_510 = arith.index_cast %scan3A_448 : i32 to index
          %get3A_511 = arith.constant 48 : index
          %get3A_512 = tpu.vector_load %arg6[%get3A_510, %get3A_511] {strides = array<i32>} : memref<112x128xf32, #tpu.memory_space<vmem>>, vector<1x16xf32>,
          %get3A_513 = vector.shape_cast %get3A_512 : vector<1x16xf32> to vector<16xf32>
          %add3A_514 = arith.addf %get3A_509, %get3A_513 : vector<16xf32>
          %add3A_515 = arith.constant 224 : i32
          %add3A_516 = arith.addi %add3A_515, %scan3A_448 : i32
          %swap3A_517 = arith.index_cast %add3A_516 : i32 to index
          %swap3A_518 = arith.constant 48 : index
          %swap3A_519 = tpu.vector_load %arg5[%swap3A_517, %swap3A_518] {strides = array<i32>} : memref<448x128xf32, #tpu.memory_space<vmem>>, vector<1x16xf32>,
          %swap3A_520 = vector.shape_cast %swap3A_519 : vector<1x16xf32> to vector<16xf32>
          %swap3A_521 = vector.shape_cast %add3A_514 : vector<16xf32> to vector<1x16xf32>
          tpu.vector_store %arg5[%swap3A_517, %swap3A_518], %swap3A_521 {strides = array<i32>} : memref<448x128xf32, #tpu.memory_space<vmem>>, vector<1x16xf32>,
          %add3A_522 = arith.constant 224 : i32
          %add3A_523 = arith.addi %add3A_522, %scan3A_448 : i32
          %get3A_524 = arith.index_cast %add3A_523 : i32 to index
          %get3A_525 = arith.constant 64 : index
          %get3A_526 = tpu.vector_load %arg5[%get3A_524, %get3A_525] {strides = array<i32>} : memref<448x128xf32, #tpu.memory_space<vmem>>, vector<1x16xf32>,
          %get3A_527 = vector.shape_cast %get3A_526 : vector<1x16xf32> to vector<16xf32>
          %get3A_528 = arith.index_cast %scan3A_448 : i32 to index
          %get3A_529 = arith.constant 64 : index
          %get3A_530 = tpu.vector_load %arg6[%get3A_528, %get3A_529] {strides = array<i32>} : memref<112x128xf32, #tpu.memory_space<vmem>>, vector<1x16xf32>,
          %get3A_531 = vector.shape_cast %get3A_530 : vector<1x16xf32> to vector<16xf32>
          %add3A_532 = arith.addf %get3A_527, %get3A_531 : vector<16xf32>
          %add3A_533 = arith.constant 224 : i32
          %add3A_534 = arith.addi %add3A_533, %scan3A_448 : i32
          %swap3A_535 = arith.index_cast %add3A_534 : i32 to index
          %swap3A_536 = arith.constant 64 : index
          %swap3A_537 = tpu.vector_load %arg5[%swap3A_535, %swap3A_536] {strides = array<i32>} : memref<448x128xf32, #tpu.memory_space<vmem>>, vector<1x16xf32>,
          %swap3A_538 = vector.shape_cast %swap3A_537 : vector<1x16xf32> to vector<16xf32>
          %swap3A_539 = vector.shape_cast %add3A_532 : vector<16xf32> to vector<1x16xf32>
          tpu.vector_store %arg5[%swap3A_535, %swap3A_536], %swap3A_539 {strides = array<i32>} : memref<448x128xf32, #tpu.memory_space<vmem>>, vector<1x16xf32>,
          %add3A_540 = arith.constant 224 : i32
          %add3A_541 = arith.addi %add3A_540, %scan3A_448 : i32
          %get3A_542 = arith.index_cast %add3A_541 : i32 to index
          %get3A_543 = arith.constant 80 : index
          %get3A_544 = tpu.vector_load %arg5[%get3A_542, %get3A_543] {strides = array<i32>} : memref<448x128xf32, #tpu.memory_space<vmem>>, vector<1x16xf32>,
          %get3A_545 = vector.shape_cast %get3A_544 : vector<1x16xf32> to vector<16xf32>
          %get3A_546 = arith.index_cast %scan3A_448 : i32 to index
          %get3A_547 = arith.constant 80 : index
          %get3A_548 = tpu.vector_load %arg6[%get3A_546, %get3A_547] {strides = array<i32>} : memref<112x128xf32, #tpu.memory_space<vmem>>, vector<1x16xf32>,
          %get3A_549 = vector.shape_cast %get3A_548 : vector<1x16xf32> to vector<16xf32>
          %add3A_550 = arith.addf %get3A_545, %get3A_549 : vector<16xf32>
          %add3A_551 = arith.constant 224 : i32
          %add3A_552 = arith.addi %add3A_551, %scan3A_448 : i32
          %swap3A_553 = arith.index_cast %add3A_552 : i32 to index
          %swap3A_554 = arith.constant 80 : index
          %swap3A_555 = tpu.vector_load %arg5[%swap3A_553, %swap3A_554] {strides = array<i32>} : memref<448x128xf32, #tpu.memory_space<vmem>>, vector<1x16xf32>,
          %swap3A_556 = vector.shape_cast %swap3A_555 : vector<1x16xf32> to vector<16xf32>
          %swap3A_557 = vector.shape_cast %add3A_550 : vector<16xf32> to vector<1x16xf32>
          tpu.vector_store %arg5[%swap3A_553, %swap3A_554], %swap3A_557 {strides = array<i32>} : memref<448x128xf32, #tpu.memory_space<vmem>>, vector<1x16xf32>,
          %scan3A_558 = arith.constant 0 : i32
          scf.yield %scan3A_558 : i32
        }
        %scan3A_429 = arith.constant 112 : i32
        %dma_start3A_430 = arith.constant 336 : i32
        %dma_start3A_431 = tpu.memref_slice %arg8[%dma_start3A_430] : memref<448xi32, #tpu.memory_space<vmem>> -> memref<112xi32, #tpu.memory_space<vmem>>
        %dma_start3A_432 = arith.constant 0 : i32
        %dma_start3A_433 = arith.constant 0 : i32
        %dma_start3A_434 = tpu.memref_slice %arg2[%dma_start3A_432, %dma_start3A_433] : memref<903168x128xf32, #tpu.memory_space<hbm>> -> memref<903168x128xf32, #tpu.memory_space<hbm>>
        tpu.enqueue_indirect_dma source(%dma_start3A_434 : memref<903168x128xf32, #tpu.memory_space<hbm>>) target(%arg6 : memref<112x128xf32, #tpu.memory_space<vmem>>) offsets(%dma_start3A_431 : memref<112xi32, #tpu.memory_space<vmem>>) semaphore(%arg9 : memref<!tpu.dma_semaphore, #tpu.memory_space<semaphore_mem>>)
        %dma_wait3A_435 = arith.constant 336 : i32
        %dma_wait3A_436 = tpu.memref_slice %arg8[%dma_wait3A_435] : memref<448xi32, #tpu.memory_space<vmem>> -> memref<112xi32, #tpu.memory_space<vmem>>
        %dma_wait3A_437 = arith.constant 0 : i32
        %dma_wait3A_438 = arith.constant 0 : i32
        %dma_wait3A_439 = tpu.memref_slice %arg2[%dma_wait3A_437, %dma_wait3A_438] : memref<903168x128xf32, #tpu.memory_space<hbm>> -> memref<903168x128xf32, #tpu.memory_space<hbm>>
        tpu.wait_indirect_dma semaphore(%arg9 : memref<!tpu.dma_semaphore, #tpu.memory_space<semaphore_mem>>) src(%dma_wait3A_439 : memref<903168x128xf32, #tpu.memory_space<hbm>>) dst(%arg6 : memref<112x128xf32, #tpu.memory_space<vmem>>)
        %scan3A_440 = arith.constant 0 : i32
        %scan3A_441 = arith.constant 0 : i32
        %scan3A_442 = arith.constant 112 : i32
        %scan3A_443 = arith.addi %scan3A_441, %scan3A_442 : i32
        %scan3A_444 = arith.constant 1 : i32
        %scan3A_445 = scf.for %scan3A_448 = %scan3A_441 to %scan3A_443 step %scan3A_444 iter_args(%scan3A_449 = %scan3A_440) -> (i32)  : i32 {
          %add3A_450 = arith.constant 336 : i32
          %add3A_451 = arith.addi %add3A_450, %scan3A_448 : i32
          %get3A_452 = arith.index_cast %add3A_451 : i32 to index
          %get3A_453 = arith.constant 0 : index
          %get3A_454 = tpu.vector_load %arg5[%get3A_452, %get3A_453] {strides = array<i32>} : memref<448x128xf32, #tpu.memory_space<vmem>>, vector<1x16xf32>,
          %get3A_455 = vector.shape_cast %get3A_454 : vector<1x16xf32> to vector<16xf32>
          %get3A_456 = arith.index_cast %scan3A_448 : i32 to index
          %get3A_457 = arith.constant 0 : index
          %get3A_458 = tpu.vector_load %arg6[%get3A_456, %get3A_457] {strides = array<i32>} : memref<112x128xf32, #tpu.memory_space<vmem>>, vector<1x16xf32>,
          %get3A_459 = vector.shape_cast %get3A_458 : vector<1x16xf32> to vector<16xf32>
          %add3A_460 = arith.addf %get3A_455, %get3A_459 : vector<16xf32>
          %add3A_461 = arith.constant 336 : i32
          %add3A_462 = arith.addi %add3A_461, %scan3A_448 : i32
          %swap3A_463 = arith.index_cast %add3A_462 : i32 to index
          %swap3A_464 = arith.constant 0 : index
          %swap3A_465 = tpu.vector_load %arg5[%swap3A_463, %swap3A_464] {strides = array<i32>} : memref<448x128xf32, #tpu.memory_space<vmem>>, vector<1x16xf32>,
          %swap3A_466 = vector.shape_cast %swap3A_465 : vector<1x16xf32> to vector<16xf32>
          %swap3A_467 = vector.shape_cast %add3A_460 : vector<16xf32> to vector<1x16xf32>
          tpu.vector_store %arg5[%swap3A_463, %swap3A_464], %swap3A_467 {strides = array<i32>} : memref<448x128xf32, #tpu.memory_space<vmem>>, vector<1x16xf32>,
          %add3A_468 = arith.constant 336 : i32
          %add3A_469 = arith.addi %add3A_468, %scan3A_448 : i32
          %get3A_470 = arith.index_cast %add3A_469 : i32 to index
          %get3A_471 = arith.constant 16 : index
          %get3A_472 = tpu.vector_load %arg5[%get3A_470, %get3A_471] {strides = array<i32>} : memref<448x128xf32, #tpu.memory_space<vmem>>, vector<1x16xf32>,
          %get3A_473 = vector.shape_cast %get3A_472 : vector<1x16xf32> to vector<16xf32>
          %get3A_474 = arith.index_cast %scan3A_448 : i32 to index
          %get3A_475 = arith.constant 16 : index
          %get3A_476 = tpu.vector_load %arg6[%get3A_474, %get3A_475] {strides = array<i32>} : memref<112x128xf32, #tpu.memory_space<vmem>>, vector<1x16xf32>,
          %get3A_477 = vector.shape_cast %get3A_476 : vector<1x16xf32> to vector<16xf32>
          %add3A_478 = arith.addf %get3A_473, %get3A_477 : vector<16xf32>
          %add3A_479 = arith.constant 336 : i32
          %add3A_480 = arith.addi %add3A_479, %scan3A_448 : i32
          %swap3A_481 = arith.index_cast %add3A_480 : i32 to index
          %swap3A_482 = arith.constant 16 : index
          %swap3A_483 = tpu.vector_load %arg5[%swap3A_481, %swap3A_482] {strides = array<i32>} : memref<448x128xf32, #tpu.memory_space<vmem>>, vector<1x16xf32>,
          %swap3A_484 = vector.shape_cast %swap3A_483 : vector<1x16xf32> to vector<16xf32>
          %swap3A_485 = vector.shape_cast %add3A_478 : vector<16xf32> to vector<1x16xf32>
          tpu.vector_store %arg5[%swap3A_481, %swap3A_482], %swap3A_485 {strides = array<i32>} : memref<448x128xf32, #tpu.memory_space<vmem>>, vector<1x16xf32>,
          %add3A_486 = arith.constant 336 : i32
          %add3A_487 = arith.addi %add3A_486, %scan3A_448 : i32
          %get3A_488 = arith.index_cast %add3A_487 : i32 to index
          %get3A_489 = arith.constant 32 : index
          %get3A_490 = tpu.vector_load %arg5[%get3A_488, %get3A_489] {strides = array<i32>} : memref<448x128xf32, #tpu.memory_space<vmem>>, vector<1x16xf32>,
          %get3A_491 = vector.shape_cast %get3A_490 : vector<1x16xf32> to vector<16xf32>
          %get3A_492 = arith.index_cast %scan3A_448 : i32 to index
          %get3A_493 = arith.constant 32 : index
          %get3A_494 = tpu.vector_load %arg6[%get3A_492, %get3A_493] {strides = array<i32>} : memref<112x128xf32, #tpu.memory_space<vmem>>, vector<1x16xf32>,
          %get3A_495 = vector.shape_cast %get3A_494 : vector<1x16xf32> to vector<16xf32>
          %add3A_496 = arith.addf %get3A_491, %get3A_495 : vector<16xf32>
          %add3A_497 = arith.constant 336 : i32
          %add3A_498 = arith.addi %add3A_497, %scan3A_448 : i32
          %swap3A_499 = arith.index_cast %add3A_498 : i32 to index
          %swap3A_500 = arith.constant 32 : index
          %swap3A_501 = tpu.vector_load %arg5[%swap3A_499, %swap3A_500] {strides = array<i32>} : memref<448x128xf32, #tpu.memory_space<vmem>>, vector<1x16xf32>,
          %swap3A_502 = vector.shape_cast %swap3A_501 : vector<1x16xf32> to vector<16xf32>
          %swap3A_503 = vector.shape_cast %add3A_496 : vector<16xf32> to vector<1x16xf32>
          tpu.vector_store %arg5[%swap3A_499, %swap3A_500], %swap3A_503 {strides = array<i32>} : memref<448x128xf32, #tpu.memory_space<vmem>>, vector<1x16xf32>,
          %add3A_504 = arith.constant 336 : i32
          %add3A_505 = arith.addi %add3A_504, %scan3A_448 : i32
          %get3A_506 = arith.index_cast %add3A_505 : i32 to index
          %get3A_507 = arith.constant 48 : index
          %get3A_508 = tpu.vector_load %arg5[%get3A_506, %get3A_507] {strides = array<i32>} : memref<448x128xf32, #tpu.memory_space<vmem>>, vector<1x16xf32>,
          %get3A_509 = vector.shape_cast %get3A_508 : vector<1x16xf32> to vector<16xf32>
          %get3A_510 = arith.index_cast %scan3A_448 : i32 to index
          %get3A_511 = arith.constant 48 : index
          %get3A_512 = tpu.vector_load %arg6[%get3A_510, %get3A_511] {strides = array<i32>} : memref<112x128xf32, #tpu.memory_space<vmem>>, vector<1x16xf32>,
          %get3A_513 = vector.shape_cast %get3A_512 : vector<1x16xf32> to vector<16xf32>
          %add3A_514 = arith.addf %get3A_509, %get3A_513 : vector<16xf32>
          %add3A_515 = arith.constant 336 : i32
          %add3A_516 = arith.addi %add3A_515, %scan3A_448 : i32
          %swap3A_517 = arith.index_cast %add3A_516 : i32 to index
          %swap3A_518 = arith.constant 48 : index
          %swap3A_519 = tpu.vector_load %arg5[%swap3A_517, %swap3A_518] {strides = array<i32>} : memref<448x128xf32, #tpu.memory_space<vmem>>, vector<1x16xf32>,
          %swap3A_520 = vector.shape_cast %swap3A_519 : vector<1x16xf32> to vector<16xf32>
          %swap3A_521 = vector.shape_cast %add3A_514 : vector<16xf32> to vector<1x16xf32>
          tpu.vector_store %arg5[%swap3A_517, %swap3A_518], %swap3A_521 {strides = array<i32>} : memref<448x128xf32, #tpu.memory_space<vmem>>, vector<1x16xf32>,
          %add3A_522 = arith.constant 336 : i32
          %add3A_523 = arith.addi %add3A_522, %scan3A_448 : i32
          %get3A_524 = arith.index_cast %add3A_523 : i32 to index
          %get3A_525 = arith.constant 64 : index
          %get3A_526 = tpu.vector_load %arg5[%get3A_524, %get3A_525] {strides = array<i32>} : memref<448x128xf32, #tpu.memory_space<vmem>>, vector<1x16xf32>,
          %get3A_527 = vector.shape_cast %get3A_526 : vector<1x16xf32> to vector<16xf32>
          %get3A_528 = arith.index_cast %scan3A_448 : i32 to index
          %get3A_529 = arith.constant 64 : index
          %get3A_530 = tpu.vector_load %arg6[%get3A_528, %get3A_529] {strides = array<i32>} : memref<112x128xf32, #tpu.memory_space<vmem>>, vector<1x16xf32>,
          %get3A_531 = vector.shape_cast %get3A_530 : vector<1x16xf32> to vector<16xf32>
          %add3A_532 = arith.addf %get3A_527, %get3A_531 : vector<16xf32>
          %add3A_533 = arith.constant 336 : i32
          %add3A_534 = arith.addi %add3A_533, %scan3A_448 : i32
          %swap3A_535 = arith.index_cast %add3A_534 : i32 to index
          %swap3A_536 = arith.constant 64 : index
          %swap3A_537 = tpu.vector_load %arg5[%swap3A_535, %swap3A_536] {strides = array<i32>} : memref<448x128xf32, #tpu.memory_space<vmem>>, vector<1x16xf32>,
          %swap3A_538 = vector.shape_cast %swap3A_537 : vector<1x16xf32> to vector<16xf32>
          %swap3A_539 = vector.shape_cast %add3A_532 : vector<16xf32> to vector<1x16xf32>
          tpu.vector_store %arg5[%swap3A_535, %swap3A_536], %swap3A_539 {strides = array<i32>} : memref<448x128xf32, #tpu.memory_space<vmem>>, vector<1x16xf32>,
          %add3A_540 = arith.constant 336 : i32
          %add3A_541 = arith.addi %add3A_540, %scan3A_448 : i32
          %get3A_542 = arith.index_cast %add3A_541 : i32 to index
          %get3A_543 = arith.constant 80 : index
          %get3A_544 = tpu.vector_load %arg5[%get3A_542, %get3A_543] {strides = array<i32>} : memref<448x128xf32, #tpu.memory_space<vmem>>, vector<1x16xf32>,
          %get3A_545 = vector.shape_cast %get3A_544 : vector<1x16xf32> to vector<16xf32>
          %get3A_546 = arith.index_cast %scan3A_448 : i32 to index
          %get3A_547 = arith.constant 80 : index
          %get3A_548 = tpu.vector_load %arg6[%get3A_546, %get3A_547] {strides = array<i32>} : memref<112x128xf32, #tpu.memory_space<vmem>>, vector<1x16xf32>,
          %get3A_549 = vector.shape_cast %get3A_548 : vector<1x16xf32> to vector<16xf32>
          %add3A_550 = arith.addf %get3A_545, %get3A_549 : vector<16xf32>
          %add3A_551 = arith.constant 336 : i32
          %add3A_552 = arith.addi %add3A_551, %scan3A_448 : i32
          %swap3A_553 = arith.index_cast %add3A_552 : i32 to index
          %swap3A_554 = arith.constant 80 : index
          %swap3A_555 = tpu.vector_load %arg5[%swap3A_553, %swap3A_554] {strides = array<i32>} : memref<448x128xf32, #tpu.memory_space<vmem>>, vector<1x16xf32>,
          %swap3A_556 = vector.shape_cast %swap3A_555 : vector<1x16xf32> to vector<16xf32>
          %swap3A_557 = vector.shape_cast %add3A_550 : vector<16xf32> to vector<1x16xf32>
          tpu.vector_store %arg5[%swap3A_553, %swap3A_554], %swap3A_557 {strides = array<i32>} : memref<448x128xf32, #tpu.memory_space<vmem>>, vector<1x16xf32>,
          %scan3A_558 = arith.constant 0 : i32
          scf.yield %scan3A_558 : i32
        }
        %scan3A_446 = arith.constant 112 : i32
        %scan3A_447 = arith.constant 0 : i32
        scf.yield %scan3A_447 : i32
      }
      %scan3A_61 = arith.constant 9 : i32
      "tpu.region"() ({
        %run_scoped3A = tpu.sem_alloc : memref<!tpu.dma_semaphore, #tpu.memory_space<semaphore_mem>>
        %dma_start3A = arith.constant 0 : i32
        %dma_start3A_63 = tpu.memref_slice %arg4[%add3A_47, %dma_start3A] : memref<100352x128xf32, #tpu.memory_space<hbm>> -> memref<448x128xf32, #tpu.memory_space<hbm>>
        %dma_start3A_64 = arith.constant 0 : i32
        %dma_start3A_65 = tpu.memref_slice %arg4[%add3A_47, %dma_start3A_64] : memref<100352x128xf32, #tpu.memory_space<hbm>> -> memref<448x128xf32, #tpu.memory_space<hbm>>
        tpu.enqueue_dma source(%arg5 : memref<448x128xf32, #tpu.memory_space<vmem>>) target(%dma_start3A_65 : memref<448x128xf32, #tpu.memory_space<hbm>>) target_semaphore(%run_scoped3A : memref<!tpu.dma_semaphore, #tpu.memory_space<semaphore_mem>>)
        %dma_wait3A = arith.constant 0 : i32
        %dma_wait3A_66 = tpu.memref_slice %arg4[%add3A_47, %dma_wait3A] : memref<100352x128xf32, #tpu.memory_space<hbm>> -> memref<448x128xf32, #tpu.memory_space<hbm>>
        %dma_wait3A_67 = arith.constant 0 : i32
        %dma_wait3A_68 = tpu.memref_slice %arg4[%add3A_47, %dma_wait3A_67] : memref<100352x128xf32, #tpu.memory_space<hbm>> -> memref<448x128xf32, #tpu.memory_space<hbm>>
        tpu.wait_dma2 semaphore(%run_scoped3A : memref<!tpu.dma_semaphore, #tpu.memory_space<semaphore_mem>>) src(%arg5 : memref<448x128xf32, #tpu.memory_space<vmem>>) dst(%dma_wait3A_68 : memref<448x128xf32, #tpu.memory_space<hbm>>)
        tpu.yield
      }) : () -> ()
      %scan3A_62 = arith.constant 0 : i32
      scf.yield %scan3A_62 : i32
    }
    %scan3A_40 = arith.constant 7 : i32
    return
  }
}

module attributes {stable_mosaic.version = 14 : i64} {
  func.func @_proj_body(%arg0: i32, %arg1: i32, %arg2: memref<1024x96xf32, #tpu.memory_space<vmem>>, %arg3: memref<1x96x128xf32, #tpu.memory_space<vmem>>, %arg4: memref<128xf32, #tpu.memory_space<vmem>>, %arg5: memref<1x1024x128xf32, #tpu.memory_space<vmem>>) attributes {dimension_semantics = [#tpu.dimension_semantics<arbitrary>, #tpu.dimension_semantics<arbitrary>], iteration_bounds = array<i64: 9, 98>, scalar_prefetch = 0 : i64, scratch_operands = 0 : i64, tpu.core_type = #tpu.core_type<tc>, window_params = [{transform_indices = @transform_0, window_bounds = array<i64: 1024, 96>}, {transform_indices = @transform_1, window_bounds = array<i64: 1, 96, 128>}, {pipeline_mode = #tpu.pipeline_mode<synchronous>, transform_indices = @transform_2, window_bounds = array<i64: 128>}, {transform_indices = @transform_3, window_bounds = array<i64: 1, 1024, 128>}]} {
    %get3A = arith.constant 0 : index
    %get3A_0 = arith.constant 0 : index
    %get3A_1 = vector.load %arg2[%get3A, %get3A_0] : memref<1024x96xf32, #tpu.memory_space<vmem>>, vector<1024x96xf32>
    %get3A_2 = arith.constant 0 : index
    %get3A_3 = arith.constant 0 : index
    %get3A_4 = arith.constant 0 : index
    %get3A_5 = vector.load %arg3[%get3A_2, %get3A_3, %get3A_4] : memref<1x96x128xf32, #tpu.memory_space<vmem>>, vector<1x96x128xf32>
    %get3A_6 = vector.shape_cast %get3A_5 : vector<1x96x128xf32> to vector<96x128xf32>
    %dot_general3A = arith.constant dense<0.000000e+00> : vector<1024x128xf32>
    %dot_general3A_7 = tpu.matmul %get3A_1, %get3A_6, %dot_general3A {dimension_numbers = #tpu.dot_dimension_numbers<[1], [0], [0], [1], [0, 0, 1, 1], [], []>, transpose_lhs_hint = false} : vector<1024x96xf32>, vector<96x128xf32>, vector<1024x128xf32> -> vector<1024x128xf32>
    %eq3A = arith.constant 0 : i32
    %eq3A_8 = arith.cmpi eq, %arg0, %eq3A : i32
    %jit3A = arith.constant 1.000000e+00 : f32
    %jit3A_9 = arith.constant 0.000000e+00 : f32
    %select_n3A = arith.select %eq3A_8, %jit3A, %jit3A_9 : f32
    %get3A_10 = arith.constant 0 : index
    %get3A_11 = vector.load %arg4[%get3A_10] : memref<128xf32, #tpu.memory_space<vmem>>, vector<128xf32>
    %mul3A = vector.broadcast %select_n3A : f32 to vector<128xf32>
    %mul3A_12 = arith.mulf %mul3A, %get3A_11 : vector<128xf32>
    %broadcast_in_dim3A = vector.shape_cast %mul3A_12 : vector<128xf32> to vector<1x128xf32>
    %add3A = vector.broadcast %broadcast_in_dim3A : vector<1x128xf32> to vector<1024x128xf32>
    %add3A_13 = arith.addf %dot_general3A_7, %add3A : vector<1024x128xf32>
    %swap3A = arith.constant 0 : index
    %swap3A_14 = arith.constant 0 : index
    %swap3A_15 = arith.constant 0 : index
    %swap3A_16 = vector.load %arg5[%swap3A, %swap3A_14, %swap3A_15] : memref<1x1024x128xf32, #tpu.memory_space<vmem>>, vector<1x1024x128xf32>
    %swap3A_17 = vector.shape_cast %swap3A_16 : vector<1x1024x128xf32> to vector<1024x128xf32>
    %swap3A_18 = vector.shape_cast %add3A_13 : vector<1024x128xf32> to vector<1x1024x128xf32>
    tpu.vector_store %arg5[%swap3A, %swap3A_14, %swap3A_15], %swap3A_18 {strides = array<i32>} : memref<1x1024x128xf32, #tpu.memory_space<vmem>>, vector<1x1024x128xf32>,
    return
  }
  func.func @transform_0(%arg0: i32, %arg1: i32) -> (i32, i32) {
    %c0_i32 = arith.constant 0 : i32
    %c0_i32_0 = arith.constant 0 : i32
    return %arg1, %c0_i32 : i32, i32
  }
  func.func @transform_1(%arg0: i32, %arg1: i32) -> (i32, i32, i32) {
    %c0_i32 = arith.constant 0 : i32
    %c0_i32_0 = arith.constant 0 : i32
    %c0_i32_1 = arith.constant 0 : i32
    return %arg0, %c0_i32, %c0_i32_0 : i32, i32, i32
  }
  func.func @transform_2(%arg0: i32, %arg1: i32) -> i32 {
    %c0_i32 = arith.constant 0 : i32
    %c0_i32_0 = arith.constant 0 : i32
    return %c0_i32 : i32
  }
  func.func @transform_3(%arg0: i32, %arg1: i32) -> (i32, i32, i32) {
    %c0_i32 = arith.constant 0 : i32
    %c0_i32_0 = arith.constant 0 : i32
    return %arg0, %arg1, %c0_i32 : i32, i32, i32
  }
}

</mosaic_0001>

<sc_bundles>
// kernel: kernel.5.cloned.1.call-start
scs
__scs_entry_jumppad:
0x0: {  	(pc) =	sbr.rel $0x88, $3  }
0x1: {  	(tag) =	ssettag $0x0;
	lr =	simm.s32 $0x1  }
0x2: {  	[smem:$0x3F9D] =	sst lr;
	_ =	strace $0xD0000000  }
0x3: {  	_ = 	snop  }
0x4: {  	_ = 	snop  }
0x5: {  	_ = 	snop  }
0x6: {  	_ = 	snop  }
0x7: {  	_ = 	snop  }
__scs_overlays_trampoline_lowered:
0x8: {  	[smem:$0x3FAC] =	sst s0  }
0x9: {  	[smem:$0x3FAD] =	sst s1  }
0xa: {  	[smem:$0x3FAE] =	sst s2  }
0xb: {  	[smem:$0x3FAF] =	sst s3  }
0xc: {  	[smem:$0x3FB0] =	sst s4  }
0xd: {  	[smem:$0x3FB1] =	sst s5  }
0xe: {  	[smem:$0x3FB2] =	sst s6  }
0xf: {  	[smem:$0x3FB3] =	sst s7  }
0x10: {  	[smem:$0x3FB4] =	sst s8  }
0x11: {  	[smem:$0x3FB5] =	sst s9;
	s0 =	simm.s32 @!p0 $0x0  }
0x12: {  	s1 =	sld [smem:$0x3F9B];
	s0 =	simm.s32 @p0 $0x1  }
0x13: {  	[smem:$0x3FB6] =	sst s0;
	s0 =	simm.s32 @!p1 $0x0  }
0x14: {  	s2 =	sld [smem:$0x3F9A];
	s0 =	simm.s32 @p1 $0x1  }
0x15: {  	[smem:$0x3FB7] =	sst s0;
	s0 =	simm.s32 @!p2 $0x0  }
0x16: {  	s3 =	sld [smem:$0x3FDB];
	s0 =	simm.s32 @p2 $0x1  }
0x17: {  	s4 =	simm.s32 $0x1BF5;
	[smem:$0x3FB9] =	sst s0  }
0x18: {  	s0 =	sld [smem:$0x3F9C];
	_ =	swait.ge [sflag:s4], $0x0  }
0x19: {  	s7 =	sld [smem:$0x3F9D]  }
0x1a: {  	s8 =	sadd.s32 $0xFFFFE003, lr  }
0x1b: {  	s9 =	sadd.s32 $0xFFFFFEF7, lr;
	s5 =	simm.s32 $0xFFFFFFFF;
	p2 =	slt.u32 s8, $0xFFFFF086  }
0x1c: {  	p1 =	slt.u32 s9, $0xF7A;
	s5 =	simm.s32 @!p2 $0x0  }
0x1d: {  	s5 =	simm.s32 @p1 $0x1;
	p0 =	seq.s32 s7, s2  }
0x1e: {  	s7 =	smul.u32 @!p0 $0xF7A, s2;
	p2 =	seq.s32 @!p0 s5, $0x0  }
0x1f: {  	s9 =	smul.u32 $0xF7A, s1;
	s8 =	simm.s32 @!p0 $0x1BF5;
	p2 =	por !p2, p0  }
0x20: {  	[sflag:s8] =	ssyncset.s32 @!p0 $0xFFFFF086;
	s6 =	sadd.s32 @!p0 s3, s7;
	s7 =	simm.s32 @!p0 $0x108  }
0x21: {  	s3 =	sadd.s32 s3, s9;
	s6 =	sadd.s32 @!p0 $0x88, s6;
	s7 =	simm.s32 @p2 $0x1082  }
0x22: {  	[simem:s7], [sflag:s8] =	dma.local @!p0 [hbm:s6], $0xF7A  }
0x23: {  	s9 =	sor.u32 $0xD0000000, s2;
	s6 =	simm.s32 $0x108;
	_ =	swait.ge @!p0 [sflag:s8], $0x0  }
0x24: {  	s3 =	sadd.s32 $0x88, s3;
	s6 =	simm.s32 @!p1 $0x1082;
	[sflag:s4] =	ssyncset.s32 $0xFFFFF086  }
0x25: {  	[simem:s6], [sflag:s4] =	dma.local [hbm:s3], $0xF7A  }
0x26: {  	[smem:$0x3F9D] =	sst s1;
	(tag) =	ssettag s2;
	_ =	strace s9  }
0x27: {  	s1 =	sld [smem:$0x3FAD]  }
0x28: {  	s2 =	sld [smem:$0x3FAE]  }
0x29: {  	s4 =	sld [smem:$0x3FB0]  }
0x2a: {  	p0 =	seq.s32 s5, $0x0;
	s5 =	sld [smem:$0x3FB1]  }
0x2b: {  	s6 =	sld [smem:$0x3FB2]  }
0x2c: {  	s7 =	sld [smem:$0x3FB3]  }
0x2d: {  	s3 =	simm.s32 $0x108;
	s8 =	sld [smem:$0x3FB4]  }
0x2e: {  	s3 =	simm.s32 @!p0 $0x1082;
	s9 =	sld [smem:$0x3FB5]  }
0x2f: {  	lr =	sadd.s32 s0, s3;
	s0 =	sld [smem:$0x3FAC]  }
0x30: {  	s3 =	sld [smem:$0x3FAF]  }
0x31: {  	[smem:$0x3FB8] =	sst s10  }
0x32: {  	s10 =	sld [smem:$0x3FB6];
	_ =	sdelay $0x3  }
0x33: {  	p0 =	seq.s32 s10, $0x1;
	s10 =	sld [smem:$0x3FB8];
	_ =	sdelay $0x3  }
0x34: {  	[smem:$0x3FB8] =	sst s10  }
0x35: {  	s10 =	sld [smem:$0x3FB7];
	_ =	sdelay $0x3  }
0x36: {  	p1 =	seq.s32 s10, $0x1;
	s10 =	sld [smem:$0x3FB8];
	_ =	sdelay $0x3  }
0x37: {  	[smem:$0x3FB8] =	sst s10  }
0x38: {  	s10 =	sld [smem:$0x3FB9]  }
0x39: {  	_ = 	snop;
	(pc) =	sbr.ind lr, $3  }
0x3a: {  	_ = 	snop  }
0x3b: {  	_ = 	snop  }
0x3c: {  	p2 =	seq.s32 s10, $0x1;
	s10 =	sld [smem:$0x3FB8]  }
0x3d: {  	_ =	shalt  }
0x3e: {  	_ =	shalt  }
0x3f: {  	_ =	shalt  }
0x40: {  	_ =	shalt  }
0x41: {  	_ =	shalt  }
0x42: {  	_ =	shalt  }
0x43: {  	_ =	shalt  }
0x44: {  	_ =	shalt  }
0x45: {  	_ =	shalt  }
0x46: {  	_ =	shalt  }
0x47: {  	_ =	shalt  }
0x48: {  	_ =	shalt  }
0x49: {  	_ =	shalt  }
0x4a: {  	_ =	shalt  }
0x4b: {  	_ =	shalt  }
0x4c: {  	_ =	shalt  }
0x4d: {  	_ =	shalt  }
0x4e: {  	_ =	shalt  }
0x4f: {  	_ =	shalt  }
0x50: {  	_ =	shalt  }
0x51: {  	_ =	shalt  }
0x52: {  	_ =	shalt  }
0x53: {  	_ =	shalt  }
0x54: {  	_ =	shalt  }
0x55: {  	_ =	shalt  }
0x56: {  	_ =	shalt  }
0x57: {  	_ =	shalt  }
0x58: {  	_ =	shalt  }
0x59: {  	_ =	shalt  }
0x5a: {  	_ =	shalt  }
0x5b: {  	_ =	shalt  }
0x5c: {  	_ =	shalt  }
0x5d: {  	_ =	shalt  }
0x5e: {  	_ =	shalt  }
0x5f: {  	_ =	shalt  }
0x60: {  	_ =	shalt  }
0x61: {  	_ =	shalt  }
0x62: {  	_ =	shalt  }
0x63: {  	_ =	shalt  }
0x64: {  	_ =	shalt  }
0x65: {  	_ =	shalt  }
0x66: {  	_ =	shalt  }
0x67: {  	_ =	shalt  }
0x68: {  	_ =	shalt  }
0x69: {  	_ =	shalt  }
0x6a: {  	_ =	shalt  }
0x6b: {  	_ =	shalt  }
0x6c: {  	_ =	shalt  }
0x6d: {  	_ =	shalt  }
0x6e: {  	_ =	shalt  }
0x6f: {  	_ =	shalt  }
0x70: {  	_ =	shalt  }
0x71: {  	_ =	shalt  }
0x72: {  	_ =	shalt  }
0x73: {  	_ =	shalt  }
0x74: {  	_ =	shalt  }
0x75: {  	_ =	shalt  }
0x76: {  	_ =	shalt  }
0x77: {  	_ =	shalt  }
0x78: {  	_ =	shalt  }
0x79: {  	_ =	shalt  }
0x7a: {  	_ =	shalt  }
0x7b: {  	_ =	shalt  }
0x7c: {  	_ =	shalt  }
0x7d: {  	_ =	shalt  }
0x7e: {  	_ =	shalt  }
0x7f: {  	_ =	shalt  }
0x80: {  	_ =	shalt  }
0x81: {  	_ =	shalt  }
0x82: {  	_ =	shalt  }
0x83: {  	_ =	shalt  }
0x84: {  	_ =	shalt  }
0x85: {  	_ =	shalt  }
0x86: {  	_ =	shalt  }
0x87: {  	_ =	shalt  }
.Lfunc_end0:
.L_simem_size_0:
called_computation.1_lowered:
.L_overlay_start_0:
0x88: {  	s2 =	sld [smem:$0x3FD9]  }
0x89: {  	s3 =	sld [smem:$0x3FFE];
	_ =	sdelay $0x1  }
0x8a: {  	s1 =	srdreg.scid  }
0x8b: {  	s0 =	sand.u32 $0x1, s1  }
0x8c: {  	s17 =	sshll.u32 s0, $0xA;
	s2 =	sadd.s32 s3, s2  }
0x8d: {  	s2 =	sadd.s32 s2, s17  }
0x8e: {  	[smem:$0x3FC4] =	sst s2  }
0x8f: {  	_ = 	snop  }
0x90: {  	s2 =	sld [smem:$0x3FD0];
	(tm) =	ssettm $0x1  }
0x91: {  	s18 =	sld [smem:$0x3FFB];
	_ =	sdelay $0x3  }
0x92: {  	_ =	strace s18  }
0x93: {  	s3 =	sld [smem:$0x3FFC];
	_ =	sdelay $0x3  }
0x94: {  	_ =	strace s3  }
0x95: {  	s3 =	sld [smem:$0x3FFD];
	_ =	sdelay $0x3  }
0x96: {  	_ =	strace s3  }
0x97: {  	_ =	strace $0x8FFFFFFF  }
0x98: {  	s19 =	sld [smem:$0x3FDB];
	_ =	sdelay $0x1  }
0x99: {  	s4 =	simm.s32 $_scs_section_size  }
0x9a: {  	s5 =	simm.s32 $_size__tile_overlayer_lowered;
	s6 =	simm.s32 $_tile_overlayer_lowered  }
0x9b: {  	s22 =	simm.s32 $0x1BFF;
	s21 =	sshll.u32 s6, $0x1;
	s3 =	sadd.s32 s4, s19  }
0x9c: {  	s7 =	simm.s32 $0x0;
	s20 =	sshll.u32 s5, $0x1;
	s5 =	sadd.s32 s21, s3  }
0x9d: {  	[timem:s7], [sflag:s22] =	dma.local [hbm:s5], s20  }
0x9e: {  	_ =	swait.ge [sflag:s22], s20  }
0x9f: {  	s4 =	ssub.s32 $0x0, s20;
	[sflag:s22] =	ssyncset.done $0x0  }
0xa0: {  	[sflag:s22] =	ssyncadd.s32 s4;
	_ =	sdelay $0x1  }
0xa1: {  	s23 =	simm.s32 $0x1B8B  }
0xa2: {  	_ =	swait.ge [sflag:s23], $0x1  }
0xa3: {  	[sflag:s23] =	ssyncset.done $0x0  }
0xa4: {  	s25 =	simm.s32 $0x1B8E;
	s24 =	sld [smem:$0x3FFE];
	[sflag:s23] =	ssyncadd.s32 $0xFFFFFFFF  }
0xa5: {  	s26 =	simm.s32 $execute0_lowered;
	[smem:$0x3FD2] =	sst s25  }
0xa6: {  	s5 =	sshll.u32 s26, $0x1;
	_ =	strace $0x80000046;
	[dreg:$0x1] =	wrdreg $0xFFFFFFFF  }
0xa7: {  	s28 =	simm.s32 $_size_execute0_lowered;
	s3 =	sadd.s32 s3, s5;
	[dreg:$0x0] =	wrdreg $0x0  }
0xa8: {  	s5 =	sshll.u32 s28, $0x1;
	[dreg:$0x2] =	wrdreg s3  }
0xa9: {  	[dreg:$0x3] =	wrdreg s5  }
0xaa: {  	[dreg:$0x4] =	wrdreg $0xC0  }
0xab: {  	_ =	task [dreg:s7], $0x5FFFF  }
0xac: {  	[dreg:$0x1] =	wrdreg $0xFFFFFFFF  }
0xad: {  	[dreg:$0x0] =	wrdreg $0x60  }
0xae: {  	[dreg:$0x2] =	wrdreg s24  }
0xaf: {  	[dreg:$0x3] =	wrdreg s2  }
0xb0: {  	[dreg:$0x4] =	wrdreg $0x9  }
0xb1: {  	_ =	task.clear_ibuf [dreg:s7], $0x5FFFF;
	_ =	strace $0x90000046  }
0xb2: {  	s29 =	simm.s32 $0x9;
	_ =	strace $0x80000048  }
0xb3: {  	_ =	swait.ge [sflag:s29], $0x1  }
0xb4: {  	[sflag:s29] =	ssyncadd.s32 $0xFFFFFFFF  }
0xb5: {  	_ =	strace $0x90000048  }
0xb6: {  	_ =	sfence  }
0xb7: {  	s30 =	sld [smem:$0x0];
	_ =	sdelay $0x2  }
0xb8: {  	s31 =	sshll.u32 s1, $0xD;
	s1 =	sshrl.u32 s1, $0x2  }
0xb9: {  	s3 =	sand.u32 $0x4000, s31;
	s1 =	sadd.s32 s1, s30  }
0xba: {  	s0 =	sor.u32 s3, s0;
	s1 =	sshll.u32 s1, $0x11  }
0xbb: {  	s0 =	sor.u32 s1, s0  }
0xbc: {  	s0 =	sadd.s32 $0x8F2B, s0  }
0xbd: {  	[sflag:s0] =	ssyncadd.remote.s32 $0x1  }
0xbe: {  	_ =	sfence.sel $0xFFFF  }
0xbf: {  	[dreg:$0x0] =	wrdreg $0xFFFFFFFF;
	(pc) =	sbr.abs _section_cstart, $3  }
0xc0: {  	[dreg:$0x1] =	wrdreg $0xFFFFFFFF  }
0xc1: {  	_ =	task.clear_ibuf [dreg:s7], $0x2FFFF;
	_ =	strace $0x9FFFFFFF  }
0xc2: {  	(tm) =	ssettm $0x7FFFFFFF  }
0xc3: {  	_ =	shalt  }
tec
execute0_lowered:
.L_overlay_start_1:
0x0: {  	(tag) =	ssettag $0x1  }
0x1: {  	s4 =	rddreg [dreg:$0x0];
	s1 =	srdreg.scid  }
0x2: {  	s0 =	stileid.u32;
	s6 =	rddreg [dreg:$0x1];
	s2 =	simm.s32 $0x0  }
0x3: {  	s10 =	simm.s32 $0x2;
	s11 =	simm.s32 $0x70;
	s12 =	simm.s32 $0x18680  }
0x4: {  	s13 =	simm.s32 $0xE000;
	s14 =	simm.s32 $0x1;
	s15 =	simm.s32 $0x186F0  }
0x5: {  	s16 =	simm.s32 $0x18760;
	s17 =	simm.s32 $0x187D0;
	s18 =	simm.s32 $0x0  }
0x6: {  	s3 =	sand.u32 $0x1, s1;
	s5 =	sshll.u32 s0, $0x1;
	[smem:$0x7FF] =	sst s2  }
0x7: {  	s1 =	rddreg [dreg:$0x2];
	s7 =	sor.u32 s3, s5;
	_ =	strace $0x80000047  }
0x8: {  	s8 =	ssub.s32 $0x2, s3;
	s3 =	sadd.s32 $0x188E00, s4;
	s5 =	sand.u32 $0xF, s7  }
0x9: {  	s4 =	sadd.s32 $0xE00, s4;
	s31 =	sshrl.u32 s8, $0x1;
	s9 =	smul.u32 $0xDC8, s5  }
0xa: {  	s7 =	smul.u32 $0xC40, s7;
	s8 =	ssub.s32 s8, s31;
	s5 =	sshrl.u32 s0, $0x3  }
0xb: {  	v0 =	vimm.f32 $0.0e+00;
	s8 =	smax.u32 s8, $0x1;
	s6 =	sadd.s32 s6, s9;
	s9 =	simm.s32 $0x11800  }
.LBB2_1:
0xc: {  	[tilespmem:s9], [sflag:$0x2] =	stream.linear.gather [hbm4b:s6+s2], $0x6E40, $0x38;
	[tilespmem:$0x18880] =	vst v63  }
0xd: {  	_ =	swait.ge [sflag:s10], $0x6E40  }
0xe: {  	[sflag:s10] =	ssyncset.done $0x0  }
0xf: {  	s19 =	simm.s32 $0x0;
	[sflag:s10] =	ssyncadd.s32 $0xFFFF91C0  }
.LBB2_2:
0x10: {  	s21 =	simm.s32 $0x0  }
0x11: {  	[tilespmem:s21+$0x50] =	vst v0  }
0x12: {  	[tilespmem:s21+$0x0] =	vst v0  }
0x13: {  	[tilespmem:s21+$0x10] =	vst v0  }
0x14: {  	[tilespmem:s21+$0x20] =	vst v0  }
0x15: {  	s20 =	simm.s32 $0x200;
	[tilespmem:s21+$0x30] =	vst v0  }
.LBB2_3:
0x16: {  	p0 =	sne.s32 s20, $0x37E00;
	[tilespmem:s21+$0x40] =	vst v0;
	s21 =	sshra.s32 s20, $0x2;
	s20 =	sadd.s32 $0x200, s20  }
.Ltmp0:
0x17: {  	[tilespmem:s21+$0x50] =	vst v0;
	(pc) =	sbr.rel @p0 .LBB2_3-.Ltmp0, $4  }
0x18: {  	[tilespmem:s21+$0x0] =	vst v0  }
0x19: {  	[tilespmem:s21+$0x10] =	vst v0  }
0x1a: {  	[tilespmem:s21+$0x20] =	vst v0  }
0x1b: {  	[tilespmem:s21+$0x30] =	vst v0  }
0x1c: {  	s20 =	smul.u32 $0x1C0, s19;
	_ =	sdelay $0x1  }
0x1d: {  	[tilespmem:s21+$0x40] =	vst v0;
	s21 =	simm.s32 $0x0;
	v1 =	vmov s20  }
.LBB2_5:
0x1e: {  	_ =	sdelay $0x1  }
0x1f: {  	s22 =	smul.u32 $0xC40, s21;
	_ =	sdelay $0x1  }
0x20: {  	v2 =	vld.idx.msk [tilespmem:v1+s22+$0x11800 ss:$0x1], $0xffff  }
0x21: {  	s23 =	sshll.u32 s21, $0x1  }
0x22: {  	s23 =	sor.u32 s5, s23  }
0x23: {  	s23 =	smul.u32 $0xC400, s23;
	_ =	sdelay $0x1  }
0x24: {  	v2 =	vadd.s32 s23, v2  }
0x25: {  	[tilespmem:$0x18680] =	vst v2  }
0x26: {  	v2 =	vld.idx.msk [tilespmem:v1+s22+$0x11810 ss:$0x1], $0xffff;
	_ =	sdelay $0x4  }
0x27: {  	v2 =	vadd.s32 s23, v2  }
0x28: {  	[tilespmem:$0x18690] =	vst v2  }
0x29: {  	v2 =	vld.idx.msk [tilespmem:v1+s22+$0x11820 ss:$0x1], $0xffff;
	_ =	sdelay $0x4  }
0x2a: {  	v2 =	vadd.s32 s23, v2  }
0x2b: {  	[tilespmem:$0x186A0] =	vst v2  }
0x2c: {  	v2 =	vld.idx.msk [tilespmem:v1+s22+$0x11830 ss:$0x1], $0xffff;
	_ =	sdelay $0x4  }
0x2d: {  	v2 =	vadd.s32 s23, v2  }
0x2e: {  	[tilespmem:$0x186B0] =	vst v2  }
0x2f: {  	v2 =	vld.idx.msk [tilespmem:v1+s22+$0x11840 ss:$0x1], $0xffff;
	_ =	sdelay $0x4  }
0x30: {  	v2 =	vadd.s32 s23, v2  }
0x31: {  	[tilespmem:$0x186C0] =	vst v2  }
0x32: {  	v2 =	vld.idx.msk [tilespmem:v1+s22+$0x11850 ss:$0x1], $0xffff;
	_ =	sdelay $0x4  }
0x33: {  	v2 =	vadd.s32 s23, v2  }
0x34: {  	[tilespmem:$0x186D0] =	vst v2  }
0x35: {  	v2 =	vld.idx.msk [tilespmem:v1+s22+$0x11860 ss:$0x1], $0xffff;
	_ =	sdelay $0x4  }
0x36: {  	v2 =	vadd.s32 s23, v2  }
0x37: {  	[tilespmem:$0x186E0] =	vst v2  }
0x38: {  	v2 =	vld.idx.msk [tilespmem:v1+s22+$0x11870 ss:$0x1], $0xffff;
	_ =	sdelay $0x4  }
0x39: {  	s24 =	sadd.s32 s20, s22;
	v2 =	vadd.s32 s23, v2  }
0x3a: {  	s24 =	sand.u32 $0x1FFC0, s24;
	[tilespmem:$0x186F0] =	vst v2  }
0x3b: {  	v2 =	vld [tilespmem:s24+$0x11880];
	_ =	sdelay $0x4  }
0x3c: {  	v2 =	vadd.s32 s23, v2  }
0x3d: {  	[tilespmem:$0x18700] =	vst v2  }
0x3e: {  	v2 =	vld.idx.msk [tilespmem:v1+s22+$0x11890 ss:$0x1], $0xffff;
	_ =	sdelay $0x4  }
0x3f: {  	v2 =	vadd.s32 s23, v2  }
0x40: {  	[tilespmem:$0x18710] =	vst v2  }
0x41: {  	v2 =	vld.idx.msk [tilespmem:v1+s22+$0x118A0 ss:$0x1], $0xffff;
	_ =	sdelay $0x4  }
0x42: {  	v2 =	vadd.s32 s23, v2  }
0x43: {  	[tilespmem:$0x18720] =	vst v2  }
0x44: {  	v2 =	vld.idx.msk [tilespmem:v1+s22+$0x118B0 ss:$0x1], $0xffff;
	_ =	sdelay $0x4  }
0x45: {  	v2 =	vadd.s32 s23, v2  }
0x46: {  	[tilespmem:$0x18730] =	vst v2  }
0x47: {  	v2 =	vld.idx.msk [tilespmem:v1+s22+$0x118C0 ss:$0x1], $0xffff;
	_ =	sdelay $0x4  }
0x48: {  	v2 =	vadd.s32 s23, v2  }
0x49: {  	[tilespmem:$0x18740] =	vst v2  }
0x4a: {  	v2 =	vld.idx.msk [tilespmem:v1+s22+$0x118D0 ss:$0x1], $0xffff;
	_ =	sdelay $0x4  }
0x4b: {  	v2 =	vadd.s32 s23, v2  }
0x4c: {  	[tilespmem:$0x18750] =	vst v2  }
0x4d: {  	v2 =	vld.idx.msk [tilespmem:v1+s22+$0x118E0 ss:$0x1], $0xffff;
	_ =	sdelay $0x4  }
0x4e: {  	v2 =	vadd.s32 s23, v2  }
0x4f: {  	[tilespmem:$0x18760] =	vst v2  }
0x50: {  	v2 =	vld.idx.msk [tilespmem:v1+s22+$0x118F0 ss:$0x1], $0xffff;
	_ =	sdelay $0x4  }
0x51: {  	v2 =	vadd.s32 s23, v2  }
0x52: {  	[tilespmem:$0x18770] =	vst v2  }
0x53: {  	v2 =	vld [tilespmem:s24+$0x11900];
	_ =	sdelay $0x4  }
0x54: {  	v2 =	vadd.s32 s23, v2  }
0x55: {  	[tilespmem:$0x18780] =	vst v2  }
0x56: {  	v2 =	vld.idx.msk [tilespmem:v1+s22+$0x11910 ss:$0x1], $0xffff;
	_ =	sdelay $0x4  }
0x57: {  	v2 =	vadd.s32 s23, v2  }
0x58: {  	[tilespmem:$0x18790] =	vst v2  }
0x59: {  	v2 =	vld.idx.msk [tilespmem:v1+s22+$0x11920 ss:$0x1], $0xffff;
	_ =	sdelay $0x4  }
0x5a: {  	v2 =	vadd.s32 s23, v2  }
0x5b: {  	[tilespmem:$0x187A0] =	vst v2  }
0x5c: {  	v2 =	vld.idx.msk [tilespmem:v1+s22+$0x11930 ss:$0x1], $0xffff;
	_ =	sdelay $0x4  }
0x5d: {  	v2 =	vadd.s32 s23, v2  }
0x5e: {  	[tilespmem:$0x187B0] =	vst v2  }
0x5f: {  	v2 =	vld.idx.msk [tilespmem:v1+s22+$0x11940 ss:$0x1], $0xffff;
	_ =	sdelay $0x4  }
0x60: {  	v2 =	vadd.s32 s23, v2  }
0x61: {  	[tilespmem:$0x187C0] =	vst v2  }
0x62: {  	v2 =	vld.idx.msk [tilespmem:v1+s22+$0x11950 ss:$0x1], $0xffff;
	_ =	sdelay $0x4  }
0x63: {  	v2 =	vadd.s32 s23, v2  }
0x64: {  	[tilespmem:$0x187D0] =	vst v2  }
0x65: {  	v2 =	vld.idx.msk [tilespmem:v1+s22+$0x11960 ss:$0x1], $0xffff;
	_ =	sdelay $0x4  }
0x66: {  	v2 =	vadd.s32 s23, v2  }
0x67: {  	[tilespmem:$0x187E0] =	vst v2  }
0x68: {  	v2 =	vld.idx.msk [tilespmem:v1+s22+$0x11970 ss:$0x1], $0xffff;
	_ =	sdelay $0x4  }
0x69: {  	v2 =	vadd.s32 s23, v2  }
0x6a: {  	[tilespmem:$0x187F0] =	vst v2  }
0x6b: {  	v2 =	vld [tilespmem:s24+$0x11980];
	_ =	sdelay $0x4  }
0x6c: {  	v2 =	vadd.s32 s23, v2  }
0x6d: {  	[tilespmem:$0x18800] =	vst v2  }
0x6e: {  	v2 =	vld.idx.msk [tilespmem:v1+s22+$0x11990 ss:$0x1], $0xffff;
	_ =	sdelay $0x4  }
0x6f: {  	v2 =	vadd.s32 s23, v2  }
0x70: {  	[tilespmem:$0x18810] =	vst v2  }
0x71: {  	v2 =	vld.idx.msk [tilespmem:v1+s22+$0x119A0 ss:$0x1], $0xffff;
	_ =	sdelay $0x4  }
0x72: {  	v2 =	vadd.s32 s23, v2  }
0x73: {  	[tilespmem:$0x18820] =	vst v2  }
0x74: {  	v2 =	vld.idx.msk [tilespmem:v1+s22+$0x119B0 ss:$0x1], $0xffff;
	_ =	sdelay $0x4  }
0x75: {  	v2 =	vadd.s32 s23, v2  }
0x76: {  	[tilespmem:$0x18830] =	vst v2  }
0x77: {  	[tilespmem:s13], [sflag:$0x1] =	stream.indirect.gather [hbm4b:s3+s11], $0x80, s12, s11, $0xb8;
	[tilespmem:$0x18880] =	vst v63  }
0x78: {  	_ =	swait.ge [sflag:s14], $0x3800  }
0x79: {  	[sflag:s14] =	ssyncset.done $0x0  }
0x7a: {  	s22 =	simm.s32 $0x0;
	[sflag:s14] =	ssyncadd.s32 $0xFFFFC800  }
0x7b: {  	v7 =	vld [tilespmem:s22+$0xE000]  }
0x7c: {  	v6 =	vld [tilespmem:s22+$0xE010]  }
0x7d: {  	v5 =	vld [tilespmem:s22+$0xE020]  }
0x7e: {  	v4 =	vld [tilespmem:s22+$0xE030]  }
0x7f: {  	v3 =	vld [tilespmem:s22+$0xE040]  }
0x80: {  	v2 =	vld [tilespmem:s22+$0xE050]  }
0x81: {  	v12 =	vld [tilespmem:s22+$0x0]  }
0x82: {  	v11 =	vld [tilespmem:s22+$0x10]  }
0x83: {  	v10 =	vld [tilespmem:s22+$0x20]  }
0x84: {  	v9 =	vld [tilespmem:s22+$0x30]  }
0x85: {  	s23 =	simm.s32 $0x200;
	v8 =	vld [tilespmem:s22+$0x40]  }
.LBB2_6:
0x86: {  	s24 =	sshra.s32 s23, $0x2;
	p0 =	sne.s32 s23, $0xDE00;
	v12 =	vadd.f32 v7, v12;
	v13 =	vld [tilespmem:s22+$0x50]  }
0x87: {  	v7 =	vld [tilespmem:s24+$0xE000];
	v11 =	vadd.f32 v6, v11  }
0x88: {  	v6 =	vld [tilespmem:s24+$0xE010];
	[tilespmem:s22+$0x0] =	vst v12;
	v10 =	vadd.f32 v5, v10  }
0x89: {  	v5 =	vld [tilespmem:s24+$0xE020];
	[tilespmem:s22+$0x10] =	vst v11;
	v9 =	vadd.f32 v4, v9  }
0x8a: {  	v4 =	vld [tilespmem:s24+$0xE030];
	[tilespmem:s22+$0x20] =	vst v10;
	v8 =	vadd.f32 v3, v8  }
0x8b: {  	v3 =	vld [tilespmem:s24+$0xE040];
	[tilespmem:s22+$0x30] =	vst v9;
	v9 =	vadd.f32 v2, v13  }
0x8c: {  	v2 =	vld [tilespmem:s24+$0xE050];
	[tilespmem:s22+$0x40] =	vst v8  }
.Ltmp1:
0x8d: {  	v12 =	vld [tilespmem:s24+$0x0];
	[tilespmem:s22+$0x50] =	vst v9;
	s22 =	smov.u32 s24;
	(pc) =	sbr.rel @p0 .LBB2_6-.Ltmp1, $4  }
0x8e: {  	v11 =	vld [tilespmem:s22+$0x10]  }
0x8f: {  	v10 =	vld [tilespmem:s22+$0x20]  }
0x90: {  	v9 =	vld [tilespmem:s22+$0x30]  }
0x91: {  	s23 =	sadd.s32 $0x200, s23;
	v8 =	vld [tilespmem:s22+$0x40]  }
0x92: {  	v7 =	vadd.f32 v7, v12;
	v12 =	vld [tilespmem:s22+$0x50]  }
0x93: {  	v6 =	vadd.f32 v6, v11  }
0x94: {  	[tilespmem:s22+$0x0] =	vst v7;
	v5 =	vadd.f32 v5, v10  }
0x95: {  	[tilespmem:s22+$0x10] =	vst v6;
	v4 =	vadd.f32 v4, v9  }
0x96: {  	[tilespmem:s22+$0x20] =	vst v5;
	v3 =	vadd.f32 v3, v8  }
0x97: {  	[tilespmem:s22+$0x30] =	vst v4;
	v2 =	vadd.f32 v2, v12  }
0x98: {  	[tilespmem:s22+$0x40] =	vst v3  }
0x99: {  	[tilespmem:s22+$0x50] =	vst v2  }
0x9a: {  	[tilespmem:s13], [sflag:$0x1] =	stream.indirect.gather [hbm4b:s3+s11], $0x80, s15, s11, $0xb8;
	[tilespmem:$0x18880] =	vst v63  }
0x9b: {  	_ =	swait.ge [sflag:s14], $0x3800  }
0x9c: {  	[sflag:s14] =	ssyncset.done $0x0  }
0x9d: {  	s22 =	simm.s32 $0x0;
	[sflag:s14] =	ssyncadd.s32 $0xFFFFC800  }
0x9e: {  	v7 =	vld [tilespmem:s22+$0xE000]  }
0x9f: {  	v6 =	vld [tilespmem:s22+$0xE010]  }
0xa0: {  	v5 =	vld [tilespmem:s22+$0xE020]  }
0xa1: {  	v4 =	vld [tilespmem:s22+$0xE030]  }
0xa2: {  	v3 =	vld [tilespmem:s22+$0xE040]  }
0xa3: {  	v2 =	vld [tilespmem:s22+$0xE050]  }
0xa4: {  	v12 =	vld [tilespmem:s22+$0x3800]  }
0xa5: {  	v11 =	vld [tilespmem:s22+$0x3810]  }
0xa6: {  	v10 =	vld [tilespmem:s22+$0x3820]  }
0xa7: {  	v9 =	vld [tilespmem:s22+$0x3830]  }
0xa8: {  	s23 =	simm.s32 $0x200;
	v8 =	vld [tilespmem:s22+$0x3840]  }
.LBB2_8:
0xa9: {  	s24 =	sshra.s32 s23, $0x2;
	p0 =	sne.s32 s23, $0xDE00;
	v12 =	vadd.f32 v7, v12;
	v13 =	vld [tilespmem:s22+$0x3850]  }
0xaa: {  	v7 =	vld [tilespmem:s24+$0xE000];
	v11 =	vadd.f32 v6, v11  }
0xab: {  	v6 =	vld [tilespmem:s24+$0xE010];
	[tilespmem:s22+$0x3800] =	vst v12;
	v10 =	vadd.f32 v5, v10  }
0xac: {  	v5 =	vld [tilespmem:s24+$0xE020];
	[tilespmem:s22+$0x3810] =	vst v11;
	v9 =	vadd.f32 v4, v9  }
0xad: {  	v4 =	vld [tilespmem:s24+$0xE030];
	[tilespmem:s22+$0x3820] =	vst v10;
	v8 =	vadd.f32 v3, v8  }
0xae: {  	v3 =	vld [tilespmem:s24+$0xE040];
	[tilespmem:s22+$0x3830] =	vst v9;
	v9 =	vadd.f32 v2, v13  }
0xaf: {  	v2 =	vld [tilespmem:s24+$0xE050];
	[tilespmem:s22+$0x3840] =	vst v8  }
.Ltmp2:
0xb0: {  	v12 =	vld [tilespmem:s24+$0x3800];
	[tilespmem:s22+$0x3850] =	vst v9;
	s22 =	smov.u32 s24;
	(pc) =	sbr.rel @p0 .LBB2_8-.Ltmp2, $4  }
0xb1: {  	v11 =	vld [tilespmem:s22+$0x3810]  }
0xb2: {  	v10 =	vld [tilespmem:s22+$0x3820]  }
0xb3: {  	v9 =	vld [tilespmem:s22+$0x3830]  }
0xb4: {  	s23 =	sadd.s32 $0x200, s23;
	v8 =	vld [tilespmem:s22+$0x3840]  }
0xb5: {  	v7 =	vadd.f32 v7, v12;
	v12 =	vld [tilespmem:s22+$0x3850]  }
0xb6: {  	v6 =	vadd.f32 v6, v11  }
0xb7: {  	[tilespmem:s22+$0x3800] =	vst v7;
	v5 =	vadd.f32 v5, v10  }
0xb8: {  	[tilespmem:s22+$0x3810] =	vst v6;
	v4 =	vadd.f32 v4, v9  }
0xb9: {  	[tilespmem:s22+$0x3820] =	vst v5;
	v3 =	vadd.f32 v3, v8  }
0xba: {  	[tilespmem:s22+$0x3830] =	vst v4;
	v2 =	vadd.f32 v2, v12  }
0xbb: {  	[tilespmem:s22+$0x3840] =	vst v3  }
0xbc: {  	[tilespmem:s22+$0x3850] =	vst v2  }
0xbd: {  	[tilespmem:s13], [sflag:$0x1] =	stream.indirect.gather [hbm4b:s3+s11], $0x80, s16, s11, $0xb8;
	[tilespmem:$0x18880] =	vst v63  }
0xbe: {  	_ =	swait.ge [sflag:s14], $0x3800  }
0xbf: {  	[sflag:s14] =	ssyncset.done $0x0  }
0xc0: {  	s22 =	simm.s32 $0x0;
	[sflag:s14] =	ssyncadd.s32 $0xFFFFC800  }
0xc1: {  	v7 =	vld [tilespmem:s22+$0xE000]  }
0xc2: {  	v6 =	vld [tilespmem:s22+$0xE010]  }
0xc3: {  	v5 =	vld [tilespmem:s22+$0xE020]  }
0xc4: {  	v4 =	vld [tilespmem:s22+$0xE030]  }
0xc5: {  	v3 =	vld [tilespmem:s22+$0xE040]  }
0xc6: {  	v2 =	vld [tilespmem:s22+$0xE050]  }
0xc7: {  	v12 =	vld [tilespmem:s22+$0x7000]  }
0xc8: {  	v11 =	vld [tilespmem:s22+$0x7010]  }
0xc9: {  	v10 =	vld [tilespmem:s22+$0x7020]  }
0xca: {  	v9 =	vld [tilespmem:s22+$0x7030]  }
0xcb: {  	s23 =	simm.s32 $0x200;
	v8 =	vld [tilespmem:s22+$0x7040]  }
.LBB2_10:
0xcc: {  	s24 =	sshra.s32 s23, $0x2;
	p0 =	sne.s32 s23, $0xDE00;
	v12 =	vadd.f32 v7, v12;
	v13 =	vld [tilespmem:s22+$0x7050]  }
0xcd: {  	v7 =	vld [tilespmem:s24+$0xE000];
	v11 =	vadd.f32 v6, v11  }
0xce: {  	v6 =	vld [tilespmem:s24+$0xE010];
	[tilespmem:s22+$0x7000] =	vst v12;
	v10 =	vadd.f32 v5, v10  }
0xcf: {  	v5 =	vld [tilespmem:s24+$0xE020];
	[tilespmem:s22+$0x7010] =	vst v11;
	v9 =	vadd.f32 v4, v9  }
0xd0: {  	v4 =	vld [tilespmem:s24+$0xE030];
	[tilespmem:s22+$0x7020] =	vst v10;
	v8 =	vadd.f32 v3, v8  }
0xd1: {  	v3 =	vld [tilespmem:s24+$0xE040];
	[tilespmem:s22+$0x7030] =	vst v9;
	v9 =	vadd.f32 v2, v13  }
0xd2: {  	v2 =	vld [tilespmem:s24+$0xE050];
	[tilespmem:s22+$0x7040] =	vst v8  }
.Ltmp3:
0xd3: {  	v12 =	vld [tilespmem:s24+$0x7000];
	[tilespmem:s22+$0x7050] =	vst v9;
	s22 =	smov.u32 s24;
	(pc) =	sbr.rel @p0 .LBB2_10-.Ltmp3, $4  }
0xd4: {  	v11 =	vld [tilespmem:s22+$0x7010]  }
0xd5: {  	v10 =	vld [tilespmem:s22+$0x7020]  }
0xd6: {  	v9 =	vld [tilespmem:s22+$0x7030]  }
0xd7: {  	s23 =	sadd.s32 $0x200, s23;
	v8 =	vld [tilespmem:s22+$0x7040]  }
0xd8: {  	v7 =	vadd.f32 v7, v12;
	v12 =	vld [tilespmem:s22+$0x7050]  }
0xd9: {  	v6 =	vadd.f32 v6, v11  }
0xda: {  	[tilespmem:s22+$0x7000] =	vst v7;
	v5 =	vadd.f32 v5, v10  }
0xdb: {  	[tilespmem:s22+$0x7010] =	vst v6;
	v4 =	vadd.f32 v4, v9  }
0xdc: {  	[tilespmem:s22+$0x7020] =	vst v5;
	v3 =	vadd.f32 v3, v8  }
0xdd: {  	[tilespmem:s22+$0x7030] =	vst v4;
	v2 =	vadd.f32 v2, v12  }
0xde: {  	[tilespmem:s22+$0x7040] =	vst v3  }
0xdf: {  	[tilespmem:s22+$0x7050] =	vst v2  }
0xe0: {  	[tilespmem:s13], [sflag:$0x1] =	stream.indirect.gather [hbm4b:s3+s11], $0x80, s17, s11, $0xb8;
	[tilespmem:$0x18880] =	vst v63  }
0xe1: {  	_ =	swait.ge [sflag:s14], $0x3800  }
0xe2: {  	[sflag:s14] =	ssyncset.done $0x0  }
0xe3: {  	s22 =	simm.s32 $0x0;
	[sflag:s14] =	ssyncadd.s32 $0xFFFFC800  }
0xe4: {  	v7 =	vld [tilespmem:s22+$0xE000]  }
0xe5: {  	v6 =	vld [tilespmem:s22+$0xE010]  }
0xe6: {  	v5 =	vld [tilespmem:s22+$0xE020]  }
0xe7: {  	v4 =	vld [tilespmem:s22+$0xE030]  }
0xe8: {  	v3 =	vld [tilespmem:s22+$0xE040]  }
0xe9: {  	v2 =	vld [tilespmem:s22+$0xE050]  }
0xea: {  	v12 =	vld [tilespmem:s22+$0xA800]  }
0xeb: {  	v11 =	vld [tilespmem:s22+$0xA810]  }
0xec: {  	v10 =	vld [tilespmem:s22+$0xA820]  }
0xed: {  	v9 =	vld [tilespmem:s22+$0xA830]  }
0xee: {  	s23 =	simm.s32 $0x200;
	v8 =	vld [tilespmem:s22+$0xA840]  }
.LBB2_12:
0xef: {  	s24 =	sshra.s32 s23, $0x2;
	p0 =	sne.s32 s23, $0xDE00;
	v12 =	vadd.f32 v7, v12;
	v13 =	vld [tilespmem:s22+$0xA850]  }
0xf0: {  	v7 =	vld [tilespmem:s24+$0xE000];
	v11 =	vadd.f32 v6, v11  }
0xf1: {  	v6 =	vld [tilespmem:s24+$0xE010];
	[tilespmem:s22+$0xA800] =	vst v12;
	v10 =	vadd.f32 v5, v10  }
0xf2: {  	v5 =	vld [tilespmem:s24+$0xE020];
	[tilespmem:s22+$0xA810] =	vst v11;
	v9 =	vadd.f32 v4, v9  }
0xf3: {  	v4 =	vld [tilespmem:s24+$0xE030];
	[tilespmem:s22+$0xA820] =	vst v10;
	v8 =	vadd.f32 v3, v8  }
0xf4: {  	v3 =	vld [tilespmem:s24+$0xE040];
	[tilespmem:s22+$0xA830] =	vst v9;
	v9 =	vadd.f32 v2, v13  }
0xf5: {  	v2 =	vld [tilespmem:s24+$0xE050];
	[tilespmem:s22+$0xA840] =	vst v8  }
.Ltmp4:
0xf6: {  	v12 =	vld [tilespmem:s24+$0xA800];
	[tilespmem:s22+$0xA850] =	vst v9;
	s22 =	smov.u32 s24;
	(pc) =	sbr.rel @p0 .LBB2_12-.Ltmp4, $4  }
0xf7: {  	v11 =	vld [tilespmem:s22+$0xA810]  }
0xf8: {  	v10 =	vld [tilespmem:s22+$0xA820]  }
0xf9: {  	v9 =	vld [tilespmem:s22+$0xA830]  }
0xfa: {  	s23 =	sadd.s32 $0x200, s23;
	v8 =	vld [tilespmem:s22+$0xA840]  }
0xfb: {  	v7 =	vadd.f32 v7, v12;
	v63 =	vld [tilespmem:s22+$0xA850]  }
0xfc: {  	s21 =	sadd.s32 $0x1, s21;
	v6 =	vadd.f32 v6, v11  }
0xfd: {  	p0 =	sne.s32 s21, $0x9;
	[tilespmem:s22+$0xA800] =	vst v7;
	v5 =	vadd.f32 v5, v10  }
.Ltmp5:
0xfe: {  	[tilespmem:s22+$0xA810] =	vst v6;
	v4 =	vadd.f32 v4, v9;
	(pc) =	sbr.rel @p0 .LBB2_5-.Ltmp5, $4  }
0xff: {  	[tilespmem:s22+$0xA820] =	vst v5;
	v3 =	vadd.f32 v3, v8  }
0x100: {  	[tilespmem:s22+$0xA830] =	vst v4;
	v2 =	vadd.f32 v2, v63  }
0x101: {  	[tilespmem:s22+$0xA840] =	vst v3  }
0x102: {  	[tilespmem:s22+$0xA850] =	vst v2  }
0x103: {  	s20 =	sadd.s32 s7, s20;
	s19 =	sadd.s32 $0x1, s19  }
0x104: {  	s20 =	sshll.u32 s20, $0x4;
	p0 =	sne.s32 s19, $0x7  }
.Ltmp6:
0x105: {  	s20 =	sadd.s32 s4, s20;
	(pc) =	sbr.rel @p0 .LBB2_2-.Ltmp6, $4  }
0x106: {  	[hbm4b:s20+s2] =	stream.linear.scatter [tilespmem:s2], [sflag:$0x2], $0xE000, $0x38;
	[tilespmem:$0x18880] =	vst v63  }
0x107: {  	_ =	swait.ge [sflag:s10], $0xE000  }
0x108: {  	[sflag:s10] =	ssyncset.done $0x0  }
0x109: {  	[sflag:s10] =	ssyncadd.s32 $0xFFFF2000  }
0x10a: {  	s18 =	sadd.s32 $0x1, s18  }
0x10b: {  	p0 =	sne.s32 s18, s8  }
.Ltmp7:
0x10c: {  	_ = 	snop;
	(pc) =	sbr.rel @p0 .LBB2_1-.Ltmp7, $1  }
0x10d: {  	_ =	sdelay $0x3  }
0x10e: {  	_ =	sfence.sel $0x180000  }
0x10f: {  	[bflag:$0x0] =	sbarrier.arrive $0xFFFF  }
0x110: {  	p0 =	sne.s32 s0, $0x0;
	_ =	strace $0x90000047  }
0x111: {  	s0 =	sadd.s32 @!p0 $0x100000, s1;
	[bflag:$0x2] =	sbarrier.arrive $0xFFFF  }
0x112: {  	[sflag:s0] =	ssyncadd.tile.s32 @!p0 $0x1;
	_ =	shalt  }
.Lfunc_end2:
_tile_overlayer_lowered:
.L_overlay_start_2:
0x113: {  	(tag) =	ssettag $0x2  }
0x114: {  	s0 =	rddreg [dreg:$0x0];
	s2 =	stileid.u32  }
0x115: {  	s1 =	rddreg [dreg:$0x1];
	p0 =	sne.s32 s2, $0x0  }
0x116: {  	s3 =	rddreg [dreg:$0x2];
	[bflag:$0x3] =	sbarrier.arrive $0xFFFF;
	s2 =	simm.s32 @!p0 $0x1C02  }
0x117: {  	[timem:s3], [sflag:s2] =	dma.local @!p0 [hbm:s0], s1  }
0x118: {  	s0 =	simm.s32 @!p0 $0x2  }
0x119: {  	_ =	swait.ge @!p0 [sflag:s0], s1  }
0x11a: {  	s1 =	ssub.s32 @!p0 $0x0, s1;
	[sflag:s0] =	ssyncset.done @!p0 $0x0  }
0x11b: {  	[sflag:s0] =	ssyncadd.s32 @!p0 s1  }
0x11c: {  	[bflag:$0x3] =	sbarrier.arrive $0xFFFF  }
0x11d: {  	_ =	shalt  }

// kernel: sparse-core-data-format-call.cloned.1.call-start
scs
called_computation_lowered:
.L_overlay_start_0:
0x0: {  	s2 =	sld [smem:$0x3FD9]  }
0x1: {  	s3 =	sld [smem:$0x3FFE];
	_ =	sdelay $0x1  }
0x2: {  	s1 =	srdreg.scid  }
0x3: {  	s0 =	sand.u32 $0x1, s1  }
0x4: {  	s18 =	sshll.u32 s0, $0xA;
	s2 =	sadd.s32 s3, s2  }
0x5: {  	s2 =	sadd.s32 s2, s18  }
0x6: {  	[smem:$0x3FC4] =	sst s2  }
0x7: {  	_ = 	snop  }
0x8: {  	s2 =	sld [smem:$0x3FD0];
	(tm) =	ssettm $0x1  }
0x9: {  	s19 =	sld [smem:$0x3FFB];
	_ =	sdelay $0x3  }
0xa: {  	_ =	strace s19  }
0xb: {  	s3 =	sld [smem:$0x3FFC];
	_ =	sdelay $0x3  }
0xc: {  	_ =	strace s3  }
0xd: {  	s3 =	sld [smem:$0x3FFD];
	_ =	sdelay $0x3  }
0xe: {  	_ =	strace s3  }
0xf: {  	_ =	strace $0x8FFFFFFF  }
0x10: {  	s20 =	sld [smem:$0x3FDB];
	_ =	sdelay $0x1  }
0x11: {  	s4 =	simm.s32 $_scs_section_size  }
0x12: {  	s5 =	simm.s32 $_size__tile_overlayer_lowered;
	s6 =	simm.s32 $_tile_overlayer_lowered  }
0x13: {  	s23 =	simm.s32 $0x1BFF;
	s22 =	sshll.u32 s6, $0x1;
	s3 =	sadd.s32 s4, s20  }
0x14: {  	s7 =	simm.s32 $0x0;
	s21 =	sshll.u32 s5, $0x1;
	s5 =	sadd.s32 s22, s3  }
0x15: {  	[timem:s7], [sflag:s23] =	dma.local [hbm:s5], s21  }
0x16: {  	_ =	swait.ge [sflag:s23], s21  }
0x17: {  	s4 =	ssub.s32 $0x0, s21;
	[sflag:s23] =	ssyncset.done $0x0  }
0x18: {  	[sflag:s23] =	ssyncadd.s32 s4;
	_ =	sdelay $0x1  }
0x19: {  	s24 =	simm.s32 $0x1B8B  }
0x1a: {  	_ =	swait.ge [sflag:s24], $0x1  }
0x1b: {  	[sflag:s24] =	ssyncset.done $0x0  }
0x1c: {  	s26 =	simm.s32 $0x1B8E;
	s25 =	sld [smem:$0x3FFE];
	[sflag:s24] =	ssyncadd.s32 $0xFFFFFFFF  }
0x1d: {  	s27 =	simm.s32 $execute0_lowered;
	[smem:$0x3FD2] =	sst s26  }
0x1e: {  	s5 =	sshll.u32 s27, $0x1;
	_ =	strace $0x80000049;
	[dreg:$0x1] =	wrdreg $0xFFFFFFFF  }
0x1f: {  	s28 =	simm.s32 $_size_execute0_lowered;
	s3 =	sadd.s32 s3, s5;
	[dreg:$0x0] =	wrdreg $0x0  }
0x20: {  	s5 =	sshll.u32 s28, $0x1;
	[dreg:$0x2] =	wrdreg s3  }
0x21: {  	[dreg:$0x3] =	wrdreg s5  }
0x22: {  	[dreg:$0x4] =	wrdreg $0xC0  }
0x23: {  	_ =	task [dreg:s7], $0x5FFFF  }
0x24: {  	[dreg:$0x1] =	wrdreg $0xFFFFFFFF  }
0x25: {  	[dreg:$0x0] =	wrdreg $0x60  }
0x26: {  	[dreg:$0x2] =	wrdreg s25  }
0x27: {  	[dreg:$0x3] =	wrdreg s2  }
0x28: {  	[dreg:$0x4] =	wrdreg $0x9  }
0x29: {  	_ =	task.clear_ibuf [dreg:s7], $0x5FFFF;
	_ =	strace $0x90000049  }
0x2a: {  	s29 =	simm.s32 $0x9;
	_ =	strace $0x8000004B  }
0x2b: {  	_ =	swait.ge [sflag:s29], $0x1  }
0x2c: {  	[sflag:s29] =	ssyncadd.s32 $0xFFFFFFFF  }
0x2d: {  	_ =	strace $0x9000004B  }
0x2e: {  	_ =	sfence  }
0x2f: {  	s30 =	sld [smem:$0x0];
	_ =	sdelay $0x2  }
0x30: {  	s31 =	sshll.u32 s1, $0xD;
	s1 =	sshrl.u32 s1, $0x2  }
0x31: {  	s3 =	sand.u32 $0x4000, s31;
	s1 =	sadd.s32 s1, s30  }
0x32: {  	s0 =	sor.u32 s3, s0;
	s1 =	sshll.u32 s1, $0x11  }
0x33: {  	s0 =	sor.u32 s1, s0  }
0x34: {  	s0 =	sadd.s32 $0x8F2B, s0  }
0x35: {  	[sflag:s0] =	ssyncadd.remote.s32 $0x1  }
0x36: {  	_ =	sfence.sel $0xFFFF  }
0x37: {  	[dreg:$0x0] =	wrdreg $0xFFFFFFFF;
	(pc) =	sbr.abs _section_cstart, $3  }
0x38: {  	[dreg:$0x1] =	wrdreg $0xFFFFFFFF  }
0x39: {  	_ =	task.clear_ibuf [dreg:s7], $0x2FFFF;
	_ =	strace $0x9FFFFFFF  }
0x3a: {  	(tm) =	ssettm $0x7FFFFFFF  }
0x3b: {  	_ =	shalt  }
tec
execute0_lowered:
.L_overlay_start_1:
0x0: {  	(tag) =	ssettag $0x1  }
0x1: {  	s0 =	rddreg [dreg:$0x0];
	s3 =	stileid.u32;
	_ =	strace $0x8000004A  }
0x2: {  	s2 =	srdreg.scid;
	s30 =	simm.s32 $0x1;
	s31 =	simm.s32 $0x2  }
0x3: {  	s17 =	simm.s32 $0x0;
	s18 =	simm.s32 $0x0;
	s19 =	simm.s32 $0x0  }
0x4: {  	s10 =	simm.s32 $0x0;
	s11 =	simm.s32 $0x0;
	s13 =	simm.s32 $0x0  }
0x5: {  	s12 =	simm.s32 $0x0;
	s6 =	sand.u32 $0x1, s3;
	s29 =	sshll.u32 s2, $0x4  }
0x6: {  	s7 =	sadd.s32 $0xE00, s0;
	s1 =	ssub.s32 $0x2, s6;
	s0 =	sand.u32 $0x10, s29  }
0x7: {  	[dreg:$0x3] =	wrdreg s6;
	s5 =	sshrl.u32 s1, $0x1;
	s1 =	sand.u32 $0x1, s1  }
.Ltmp0:
0x8: {  	s0 =	sor.u32 s3, s0;
	s1 =	sadd.s32 s1, s5;
	(pc) =	sbr.rel .LBB1_1-.Ltmp0, $4  }
0x9: {  	[dreg:$0x4] =	wrdreg s7;
	s22 =	sshrl.u32 s0, $0x1;
	s8 =	smul.u32 $0x1C, s1  }
0xa: {  	s16 =	simm.s32 $0x0;
	[sflag:s30] =	ssyncpa.u1 $0x0;
	[dreg:$0x6] =	wrdreg s22  }
0xb: {  	[sflag:s31] =	ssyncpa.u1 $0x0;
	s23 =	sor.u32 $0x1, s8;
	[dreg:$0x5] =	wrdreg s8  }
0xc: {  	s15 =	smov.u32 s6;
	s14 =	smov.u32 s22;
	[dreg:$0x7] =	wrdreg s23  }
.LBB1_9:
0xd: {  	p0 =	sgt.s32 s10, $0x80;
	s0 =	smov.u32 s10;
	s3 =	smul.u32 $0xA8000, s13  }
0xe: {  	s1 =	sshrl.u32 s10, $0x5;
	s27 =	smul.u32 $0xC00, s11;
	s4 =	sshrl.u32 s10, $0x3  }
0xf: {  	s5 =	rddreg [dreg:$0x1];
	s28 =	sand.u32 $0x7, s10;
	s0 =	simm.s32 @!p0 $0x80  }
0x10: {  	s29 =	sor.u32 $0x8000, s22;
	s1 =	sand.u32 $0xFFFFFC, s1;
	s0 =	sadd.s32 s21, s0  }
0x11: {  	s6 =	rddreg [dreg:$0x3];
	s26 =	smulhi.u32 $0x2AAAAAB, s1;
	s2 =	sadd.s32 $0xFFFFFF80, s0  }
0x12: {  	s7 =	rddreg [dreg:$0x4];
	s0 =	ssub.s32 $0x100, s0;
	p0 =	sgt.s32 s2, $0x7F  }
0x13: {  	s8 =	rddreg [dreg:$0x5];
	s2 =	smul.u32 $0x60, s26;
	s0 =	simm.s32 @p0 $0x0  }
0x14: {  	s31 =	simm.s32 $0x800;
	s22 =	rddreg [dreg:$0x6];
	s0 =	smul.u32 s0, s20  }
0x15: {  	s23 =	rddreg [dreg:$0x7];
	s4 =	sand.u32 $0xF, s4;
	s3 =	sadd.s32 s5, s3  }
0x16: {  	s1 =	ssub.s32 s1, s2;
	s2 =	sadd.s32 s27, s3;
	s0 =	smul.u32 $0x60, s0  }
0x17: {  	s3 =	sshll.u32 s28, $0x12;
	s1 =	sshll.u32 s1, $0x5;
	s2 =	sadd.s32 s4, s2  }
0x18: {  	s30 =	sor.u32 $0x400, s3;
	s1 =	sadd.s32 s1, s2;
	s0 =	sand.u32 $0x3FFFFFE0, s0  }
0x19: {  	[hbm4b:s1+s30] =	stream.strided.scatter [tilespmem:s29], [sflag:$0x2], s0, s31, s30, $0x20;
	[tilespmem:$0x10100] =	vst v63  }
.LBB1_10:
0x1a: {  	p0 =	slt.u32 s16, $0x2;
	s1 =	smov.u32 s19  }
0x1b: {  	s3 =	smov.u32 s17;
	p1 =	sgt.s32 @!p0 s19, $0x1;
	s0 =	sshra.s32 @!p0 s19, $0x1F  }
0x1c: {  	s2 =	sshra.s32 @!p0 s18, $0x1F;
	p1 =	por !p1, p0;
	s0 =	sand.u32 @!p0 s0, s19  }
0x1d: {  	s1 =	simm.s32 @p1 $0x1;
	s0 =	sxor.u32 @!p0 $0xFFFFFFFF, s0;
	p1 =	sgt.s32 @!p0 s18, $0xDF  }
0x1e: {  	s0 =	sadd.s32 @!p0 s0, s1;
	p2 =	por !p1, p0;
	s1 =	smov.u32 s18  }
0x1f: {  	s4 =	sshra.s32 @!p0 s17, $0x1F;
	s2 =	sand.u32 @!p0 s2, s18;
	s1 =	simm.s32 @p2 $0xDF  }
0x20: {  	p1 =	sgt.s32 @!p0 s0, $0x0;
	p2 =	sgt.s32 @!p0 s17, $0x80;
	s1 =	ssub.s32 @!p0 s1, s2  }
0x21: {  	s0 =	ssub.s32 @!p0 $0x1, s0;
	p2 =	por !p2, p0;
	s2 =	sadd.s32 @!p0 $0xFFFFFF21, s1  }
0x22: {  	s3 =	simm.s32 @p2 $0x80;
	p2 =	sgt.s32 @!p0 s2, $0x0;
	s2 =	sand.u32 @!p0 s4, s17  }
0x23: {  	s0 =	smul.u32 @!p0 $0x60, s0;
	p1 =	por !p1, p0;
	s2 =	ssub.s32 @!p0 s3, s2  }
0x24: {  	s1 =	ssub.s32 @!p0 $0xE0, s1;
	p2 =	por !p2, p0;
	s3 =	sadd.s32 @!p0 $0xFFFFFF80, s2  }
0x25: {  	s0 =	simm.s32 @!p1 $0x0;
	s1 =	simm.s32 @!p2 $0x0;
	p2 =	sgt.s32 @!p0 s3, $0x7F  }
0x26: {  	s2 =	ssub.s32 @!p0 $0x100, s2;
	s0 =	smul.u32 @!p0 s1, s0;
	p1 =	por !p2, p0  }
0x27: {  	s1 =	sadd.s32 $0x80, s12;
	s3 =	smov.u32 s14;
	s2 =	simm.s32 @!p1 $0x0  }
0x28: {  	p1 =	sgt.s32 s1, $0xDF;
	s0 =	smul.u32 @!p0 s2, s0;
	s2 =	sadd.s32 $0x10, s14  }
0x29: {  	s3 =	smov.u32 @p1 s2  }
0x2a: {  	s5 =	smov.u32 s15;
	s2 =	sadd.s32 $0x2, s15;
	p2 =	sgt.s32 s3, $0xDF  }
0x2b: {  	s19 =	smov.u32 s13;
	s5 =	smov.u32 @p2 s2  }
0x2c: {  	s13 =	smov.u32 s15;
	s1 =	simm.s32 @p1 $0x0;
	p1 =	sgt.s32 s5, $0x1  }
0x2d: {  	s18 =	smov.u32 s11;
	s5 =	smov.u32 @p1 s6;
	p1 =	sne.s32 s16, s23  }
.Ltmp1:
0x2e: {  	s11 =	smov.u32 s14;
	s4 =	simm.s32 @!p0 $0x2;
	(pc) =	sbr.rel @!p1 .LBB1_11-.Ltmp1, $4  }
0x2f: {  	s17 =	smov.u32 s10;
	s10 =	smov.u32 s12;
	s0 =	sand.u32 @!p0 $0x3FFFFFE0, s0  }
0x30: {  	s12 =	smov.u32 s1;
	_ =	swait.ge @!p0 [sflag:s4], s0;
	s3 =	smov.u32 @p2 s22  }
0x31: {  	s0 =	ssub.s32 @!p0 $0x0, s0;
	[sflag:s4] =	ssyncset.done @!p0 $0x0;
	s14 =	smov.u32 s3  }
0x32: {  	s16 =	sadd.s32 $0x1, s16;
	[sflag:s4] =	ssyncadd.s32 @!p0 s0;
	s15 =	smov.u32 s5  }
.LBB1_1:
0x33: {  	p0 =	sge.u32 s16, s8;
	s2 =	smov.u32 s15;
	s20 =	smov.u32 s14  }
0x34: {  	s31 =	sadd.s32 $0xFFFFFFFF, s16;
	s0 =	sand.u32 @!p0 $0x1FFFFFF, s12;
	p1 =	sgt.s32 @!p0 s15, $0x1  }
0x35: {  	s9 =	sshra.s32 @!p0 s15, $0x1F;
	s21 =	sshra.s32 @!p0 s14, $0x1F;
	s1 =	smulhi.u32 @!p0 $0x2492493, s0  }
0x36: {  	p1 =	por !p1, p0;
	s9 =	sand.u32 @!p0 s9, s15;
	s21 =	sand.u32 @!p0 s21, s14  }
0x37: {  	s2 =	simm.s32 @p1 $0x1;
	p1 =	sgt.s32 @!p0 s14, $0xDF;
	s9 =	sxor.u32 @!p0 $0xFFFFFFFF, s9  }
0x38: {  	s1 =	sshrl.u32 @!p0 s1, $0x1;
	p1 =	por !p1, p0;
	s2 =	sadd.s32 @!p0 s9, s2  }
0x39: {  	s1 =	smul.u32 @!p0 $0xE0, s1;
	s20 =	simm.s32 @p1 $0xDF;
	p1 =	sgt.s32 @!p0 s12, $0x60  }
0x3a: {  	p2 =	sgt.s32 @!p0 s2, $0x0;
	s2 =	sshll.u32 @!p0 s2, $0x7;
	s9 =	ssub.s32 @!p0 s20, s21  }
0x3b: {  	p1 =	por !p1, p0;
	s20 =	smov.u32 s12;
	s21 =	sadd.s32 @!p0 $0xFFFFFF21, s9  }
0x3c: {  	s20 =	simm.s32 @p1 $0x60;
	p1 =	sgt.s32 @!p0 s21, $0x0;
	s21 =	sshra.s32 @!p0 s12, $0x1F  }
0x3d: {  	s2 =	ssub.s32 @!p0 $0x80, s2;
	p2 =	por !p2, p0;
	s21 =	sand.u32 @!p0 s21, s12  }
0x3e: {  	s9 =	ssub.s32 @!p0 $0xE0, s9;
	p1 =	por !p1, p0;
	s20 =	ssub.s32 @!p0 s20, s21  }
0x3f: {  	s2 =	simm.s32 @!p2 $0x0;
	s9 =	simm.s32 @!p1 $0x0;
	s21 =	sadd.s32 @!p0 $0xFFFFFFA0, s20  }
0x40: {  	s0 =	ssub.s32 @!p0 s0, s1;
	s2 =	smul.u32 @!p0 s9, s2;
	p1 =	sgt.s32 @!p0 s21, $0x7F  }
0x41: {  	s9 =	ssub.s32 @!p0 $0xE0, s20;
	s20 =	smul.u32 @!p0 $0xC4000, s15;
	p1 =	por !p1, p0  }
0x42: {  	s1 =	smul.u32 @!p0 $0xE00, s14;
	s21 =	sxor.u32 @!p0 $0xFFFFFFFF, s16;
	s9 =	simm.s32 @!p1 $0x0  }
0x43: {  	s21 =	sshll.u32 @!p0 s21, $0xE;
	s2 =	smul.u32 @!p0 s9, s2;
	s9 =	sadd.s32 @!p0 s7, s20  }
0x44: {  	s0 =	sshll.u32 @!p0 s0, $0x4;
	s20 =	sand.u32 @!p0 $0x4000, s21;
	s1 =	sadd.s32 @!p0 s1, s9  }
0x45: {  	s2 =	sand.u32 @!p0 $0x3FFFFF80, s2;
	s0 =	sadd.s32 @!p0 s0, s1;
	s1 =	simm.s32 @!p0 $0x0  }
0x46: {  	[tilespmem:s20], [sflag:$0x1] =	stream.linear.gather @!p0 [hbm4b:s0+s1], s2, $0x38;
	[tilespmem:$0x10100] =	vst v63  }
0x47: {  	p0 =	sge.u32 s31, s8  }
.Ltmp2:
0x48: {  	_ = 	snop;
	(pc) =	sbr.rel @p0 .LBB1_10-.Ltmp2, $1  }
0x49: {  	_ =	sdelay $0x3  }
0x4a: {  	p0 =	sgt.s32 s13, $0x1;
	s0 =	smov.u32 s13;
	s1 =	sshra.s32 s13, $0x1F  }
0x4b: {  	s2 =	smov.u32 s11;
	s9 =	sshra.s32 s11, $0x1F;
	s27 =	ssub.s32 $0x0, s10  }
0x4c: {  	s28 =	sshra.s32 s10, $0x1F;
	p1 =	sgt.s32 s10, $0x60;
	s20 =	smov.u32 s10  }
0x4d: {  	s0 =	simm.s32 @!p0 $0x1;
	s1 =	sand.u32 s1, s13;
	p0 =	sgt.s32 s11, $0xDF  }
0x4e: {  	s26 =	sand.u32 s9, s11;
	s21 =	sand.u32 s27, s28;
	s1 =	sxor.u32 $0xFFFFFFFF, s1  }
0x4f: {  	s20 =	simm.s32 @!p1 $0x60;
	s2 =	simm.s32 @!p0 $0xDF;
	s0 =	sadd.s32 s1, s0  }
0x50: {  	s1 =	ssub.s32 s2, s26;
	s2 =	sadd.s32 s21, s20;
	p0 =	sgt.s32 s0, $0x0  }
0x51: {  	s0 =	ssub.s32 $0x1, s0;
	s22 =	sadd.s32 $0xFFFFFF21, s1;
	s1 =	ssub.s32 $0xE0, s1  }
0x52: {  	s2 =	sadd.s32 $0xFFFFFFA0, s2;
	p1 =	sgt.s32 s22, $0x0;
	s0 =	simm.s32 @p0 $0x0  }
0x53: {  	s29 =	sshll.u32 s2, $0x7;
	p0 =	sgt.s32 s2, $0x7F;
	s1 =	simm.s32 @p1 $0x0  }
0x54: {  	s20 =	smul.u32 s0, s1;
	s0 =	ssub.s32 $0x4000, s29;
	s1 =	sadd.s32 $0x1, s13  }
0x55: {  	s2 =	sadd.s32 $0x1, s11;
	s0 =	simm.s32 @p0 $0x0;
	p0 =	slt.s32 s1, $0x2  }
0x56: {  	s1 =	simm.s32 @!p0 $0x2;
	p0 =	slt.s32 s2, $0xE0  }
0x57: {  	s23 =	ssub.s32 s1, s13;
	s2 =	simm.s32 @!p0 $0xE0;
	s1 =	sadd.s32 $0x80, s10  }
0x58: {  	s24 =	ssub.s32 s2, s11;
	p1 =	slt.s32 s1, $0xE0;
	p0 =	slt.s32 s23, $0x1  }
0x59: {  	s1 =	simm.s32 @!p1 $0xE0;
	p1 =	slt.s32 @!p0 s24, $0x1  }
0x5a: {  	s25 =	ssub.s32 s1, s10;
	p1 =	por p0, p1  }
0x5b: {  	p2 =	slt.s32 @!p1 s25, $0x1  }
0x5c: {  	s0 =	smul.u32 s20, s0;
	p1 =	por p1, p2  }
.Ltmp3:
0x5d: {  	_ = 	snop;
	(pc) =	sbr.rel @p1 .LBB1_9-.Ltmp3, $4  }
0x5e: {  	s3 =	simm.s32 $0x1;
	s30 =	sand.u32 $0x3FFFFF80, s0  }
0x5f: {  	_ =	swait.ge [sflag:s3], s30  }
0x60: {  	s0 =	sand.u32 $0x1, s16;
	s31 =	ssub.s32 $0x0, s30;
	[sflag:s3] =	ssyncset.done $0x0  }
0x61: {  	s22 =	smul.u32 $0x4080, s0;
	[sflag:s3] =	ssyncadd.s32 s31  }
0x62: {  	_ = 	snop  }
0x63: {  	s26 =	sshll.u32 @!p0 s0, $0xE;
	s28 =	simm.s32 $0x0;
	s27 =	sor.u32 @!p0 $0x8000, s22  }
.LBB1_4:
0x64: {  	s29 =	simm.s32 $0x0  }
.LBB1_5:
0x65: {  	s0 =	sadd.s32 s28, s29  }
0x66: {  	s1 =	sshll.u32 s0, $0x10  }
0x67: {  	s31 =	simm.s32 $0x0;
	s1 =	sshra.s32 s1, $0x2  }
0x68: {  	s8 =	simm.s32 $0x0;
	p0 =	sne.s32 s25, $0x1;
	s1 =	sadd.s32 s1, s26  }
0x69: {  	s9 =	simm.s32 $0x10;
	s4 =	simm.s32 $0x20;
	s3 =	simm.s32 $0x50;
	v0 =	vmov s1  }
0x6a: {  	s0 =	smul.u32 $0x10200, s0;
	s2 =	sand.u32 $0x3F80, s31;
	s9 =	sand.u32 $0x78, s9  }
0x6b: {  	s4 =	sand.u32 $0x78, s4;
	s3 =	sand.u32 $0x78, s3;
	s9 =	smul.u32 $0x204, s9  }
0x6c: {  	s7 =	sand.u32 $0x7F, s31;
	s4 =	smul.u32 $0x204, s4;
	s1 =	sand.u32 $0x78, s8  }
0x6d: {  	s3 =	smul.u32 $0x204, s3;
	s0 =	sshra.s32 s0, $0x2;
	s5 =	sxor.u32 $0x40, s1  }
0x6e: {  	s30 =	sadd.s32 s0, s27;
	s8 =	simm.s32 $0x30;
	s5 =	smul.u32 $0x204, s5;
	v1 =	vld.idx.msk [tilespmem:v0+s2+$0x40 ss:$0x1], $0xffff  }
0x6f: {  	s9 =	sshrl.u32 s9, $0x2;
	s4 =	sshrl.u32 s4, $0x2;
	s1 =	smul.u32 $0x204, s1;
	v2 =	vld.idx.msk [tilespmem:v0+s2+$0x0 ss:$0x1], $0xffff  }
0x70: {  	s3 =	sshrl.u32 s3, $0x2;
	s8 =	sand.u32 $0x78, s8;
	s5 =	sshrl.u32 s5, $0x2;
	v4 =	vld.idx.msk [tilespmem:v0+s2+$0x20 ss:$0x1], $0xffff  }
0x71: {  	s8 =	smul.u32 $0x204, s8;
	s1 =	sshrl.u32 s1, $0x2;
	v3 =	vld.idx.msk [tilespmem:v0+s2+$0x10 ss:$0x1], $0xffff;
	s5 =	sadd.s32 s5, s30  }
.Ltmp4:
0x72: {  	s1 =	sadd.s32 s1, s30;
	s5 =	sadd.s32 s7, s5;
	(pc) =	sbr.rel @!p0 .LBB1_7-.Ltmp4, $4  }
0x73: {  	s4 =	sadd.s32 s4, s30;
	s8 =	sshrl.u32 s8, $0x2;
	s1 =	sadd.s32 s7, s1;
	[tilespmem:s5+$0x0 ss:$0x81] =	vst.msk $0xffff, v1;
	v1 =	vld.idx.msk [tilespmem:v0+s2+$0x30 ss:$0x1], $0xffff  }
0x74: {  	s9 =	sadd.s32 s9, s30;
	s6 =	sadd.s32 s8, s30;
	s8 =	sadd.s32 s7, s4;
	[tilespmem:s1+$0x0 ss:$0x81] =	vst.msk $0xffff, v2;
	v2 =	vld.idx.msk [tilespmem:v0+s2+$0x50 ss:$0x1], $0xffff  }
0x75: {  	s0 =	simm.s32 $0x1;
	s3 =	sadd.s32 s3, s30;
	s5 =	sadd.s32 s7, s9;
	[tilespmem:s8+$0x0 ss:$0x81] =	vst.msk $0xffff, v4  }
0x76: {  	s9 =	sadd.s32 s7, s6;
	s2 =	sadd.s32 s7, s3;
	s1 =	simm.s32 $0x2808;
	[tilespmem:s5+$0x0 ss:$0x81] =	vst.msk $0xffff, v3  }
.LBB1_6:
0x77: {  	s3 =	sadd.s32 $0xFFFFD800, s1;
	s4 =	sadd.s32 $0xFFFFE000, s1  }
0x78: {  	[tilespmem:s9+$0x0 ss:$0x81] =	vst.msk $0xffff, v1;
	s5 =	smov.u32 s0;
	s0 =	sadd.s32 $0x1, s0;
	s31 =	sadd.s32 $0x80, s31  }
0x79: {  	s7 =	sadd.s32 $0xFFFFE800, s1;
	s3 =	sshrl.u32 s3, $0x7;
	p0 =	sne.s32 s25, s0;
	[tilespmem:s2+$0x0 ss:$0x81] =	vst.msk $0xffff, v2  }
0x7a: {  	s8 =	sadd.s32 $0xFFFFF000, s1;
	s2 =	sand.u32 $0x3F80, s31;
	s3 =	sand.u32 $0x78, s3  }
0x7b: {  	s6 =	sshrl.u32 s1, $0x7;
	s4 =	sshrl.u32 s4, $0x7;
	v3 =	vld.idx.msk [tilespmem:v0+s2+$0x40 ss:$0x1], $0xffff;
	s9 =	sxor.u32 $0x40, s3  }
0x7c: {  	s7 =	sshrl.u32 s7, $0x7;
	s8 =	sshrl.u32 s8, $0x7;
	v4 =	vld.idx.msk [tilespmem:v0+s2+$0x0 ss:$0x1], $0xffff;
	s9 =	smul.u32 $0x204, s9  }
0x7d: {  	s6 =	sand.u32 $0x78, s6;
	s4 =	sand.u32 $0x78, s4;
	s7 =	sand.u32 $0x78, s7;
	v5 =	vld.idx.msk [tilespmem:v0+s2+$0x10 ss:$0x1], $0xffff  }
0x7e: {  	s8 =	sand.u32 $0x78, s8;
	s6 =	smul.u32 $0x204, s6;
	v6 =	vld.idx.msk [tilespmem:v0+s2+$0x20 ss:$0x1], $0xffff;
	s9 =	sshrl.u32 s9, $0x2  }
0x7f: {  	s5 =	sand.u32 $0x7F, s5;
	s3 =	smul.u32 $0x204, s3;
	v1 =	vld.idx.msk [tilespmem:v0+s2+$0x30 ss:$0x1], $0xffff;
	s9 =	sadd.s32 s9, s30  }
0x80: {  	s4 =	smul.u32 $0x204, s4;
	s9 =	sadd.s32 s5, s9;
	v2 =	vld.idx.msk [tilespmem:v0+s2+$0x50 ss:$0x1], $0xffff  }
0x81: {  	s2 =	sshrl.u32 s3, $0x2;
	s3 =	smul.u32 $0x204, s7;
	[tilespmem:s9+$0x0 ss:$0x81] =	vst.msk $0xffff, v3  }
0x82: {  	s4 =	sshrl.u32 s4, $0x2;
	s7 =	smul.u32 $0x204, s8;
	s2 =	sadd.s32 s2, s30  }
.Ltmp5:
0x83: {  	s4 =	sadd.s32 s4, s30;
	s3 =	sshrl.u32 s3, $0x2;
	(pc) =	sbr.rel @p0 .LBB1_6-.Ltmp5, $4  }
0x84: {  	s2 =	sadd.s32 s5, s2;
	s7 =	sshrl.u32 s7, $0x2;
	s3 =	sadd.s32 s3, s30  }
0x85: {  	s6 =	sshrl.u32 s6, $0x2;
	[tilespmem:s2+$0x0 ss:$0x81] =	vst.msk $0xffff, v4;
	s2 =	sadd.s32 s5, s4;
	s4 =	sadd.s32 s7, s30  }
0x86: {  	[tilespmem:s2+$0x0 ss:$0x81] =	vst.msk $0xffff, v5;
	s2 =	sadd.s32 s5, s3;
	s9 =	sadd.s32 s5, s4;
	s3 =	sadd.s32 s6, s30  }
0x87: {  	s1 =	sadd.s32 $0x8, s1;
	[tilespmem:s2+$0x0 ss:$0x81] =	vst.msk $0xffff, v6;
	s2 =	sadd.s32 s5, s3  }
.LBB1_7:
0x88: {  	s29 =	sadd.s32 $0x1, s29  }
0x89: {  	p0 =	sne.s32 s29, s24  }
.Ltmp6:
0x8a: {  	_ = 	snop;
	(pc) =	sbr.rel @p0 .LBB1_5-.Ltmp6, $3  }
0x8b: {  	_ =	sdelay $0x1  }
0x8c: {  	[tilespmem:s9+$0x0 ss:$0x81] =	vst.msk $0xffff, v1  }
0x8d: {  	[tilespmem:s2+$0x0 ss:$0x81] =	vst.msk $0xffff, v2  }
0x8e: {  	s28 =	sadd.s32 $0x1, s28  }
0x8f: {  	p0 =	sne.s32 s28, s23  }
.Ltmp7:
0x90: {  	_ = 	snop;
	(pc) =	sbr.rel @p0 .LBB1_4-.Ltmp7, $4  }
.Ltmp8:
0x91: {  	_ = 	snop;
	(pc) =	sbr.rel @!p0 .LBB1_9-.Ltmp8, $4  }
0x92: {  	_ = 	snop  }
0x93: {  	_ = 	snop  }
0x94: {  	_ = 	snop  }
0x95: {  	_ = 	snop  }
.LBB1_11:
0x96: {  	_ =	sfence.sel $0x180000  }
0x97: {  	s0 =	simm.s32 $0x1;
	[bflag:$0x0] =	sbarrier.arrive $0xFFFF  }
0x98: {  	s30 =	simm.s32 $0x2;
	[sflag:s0] =	ssyncpa.u1 $0x1  }
0x99: {  	[sflag:s30] =	ssyncpa.u1 $0x1  }
0x9a: {  	_ =	strace $0x9000004A  }
0x9b: {  	s31 =	stileid.u32;
	[bflag:$0x2] =	sbarrier.arrive $0xFFFF  }
0x9c: {  	p0 =	sne.s32 s31, $0x0;
	s0 =	rddreg [dreg:$0x2]  }
0x9d: {  	s0 =	sadd.s32 @!p0 $0x100000, s0  }
0x9e: {  	[sflag:s0] =	ssyncadd.tile.s32 @!p0 $0x1;
	_ =	shalt  }
.Lfunc_end1:
_tile_overlayer_lowered:
.L_overlay_start_2:
0x9f: {  	(tag) =	ssettag $0x2  }
0xa0: {  	s0 =	rddreg [dreg:$0x0];
	s2 =	stileid.u32  }
0xa1: {  	s1 =	rddreg [dreg:$0x1];
	p0 =	sne.s32 s2, $0x0  }
0xa2: {  	s3 =	rddreg [dreg:$0x2];
	[bflag:$0x3] =	sbarrier.arrive $0xFFFF;
	s2 =	simm.s32 @!p0 $0x1C01  }
0xa3: {  	[timem:s3], [sflag:s2] =	dma.local @!p0 [hbm:s0], s1  }
0xa4: {  	s0 =	simm.s32 @!p0 $0x1  }
0xa5: {  	_ =	swait.ge @!p0 [sflag:s0], s1  }
0xa6: {  	s1 =	ssub.s32 @!p0 $0x0, s1;
	[sflag:s0] =	ssyncset.done @!p0 $0x0  }
0xa7: {  	[sflag:s0] =	ssyncadd.s32 @!p0 s1  }
0xa8: {  	[bflag:$0x3] =	sbarrier.arrive $0xFFFF  }
0xa9: {  	_ =	shalt  }

</sc_bundles>
